<compile_context>
chip_gen: v7x
topology: tpu7x:2x2x1
jax: 0.10.2.dev20260603
libtpu: 0.0.44.dev20260713+nightly
codegen_flags: <defaults>
</compile_context>

<pallas_src>
import functools

import jax
import jax.numpy as jnp
from jax import lax
from jax.experimental import pallas as pl
from jax.experimental.pallas import tpu as pltpu
from jax.experimental.pallas import tpu_sc as plsc

_NC = 2
_NS = 16


def kernel(input_, weight):
    B, H = input_.shape
    V, D = weight.shape
    BH = B // 4
    NU = 4 * H
    n_u = (NU + _NS - 1) // _NS
    d_per_c = D // _NC
    idx2 = input_.T.reshape(NU, BH)
    wT = weight.T

    mesh = plsc.VectorSubcoreMesh(core_axis_name="c", subcore_axis_name="s")

    @functools.partial(
        pl.kernel,
        out_type=jax.ShapeDtypeStruct((H * D, B), jnp.float32),
        mesh=mesh,
        scratch_types=[
            pltpu.VMEM_SHARED((V,), jnp.float32),
            [pltpu.VMEM((BH,), jnp.int32) for _ in range(n_u)],
            [pltpu.VMEM((BH,), jnp.float32) for _ in range(2)],
            [pltpu.SemaphoreType.DMA for _ in range(2)],
        ],
    )
    def emb(idx_hbm, wT_hbm, out_hbm, col, idx_v, dst_v, gsem):
        def gat(k):
            return pltpu.make_async_copy(col.at[idx_v[k]], dst_v[k % 2], gsem[k % 2])

        c = lax.axis_index("c")
        s = lax.axis_index("s")
        d0 = c * d_per_c

        for k in range(n_u):
            u = s + k * _NS
            @pl.when(u < NU)
            def _load(k=k, u=u):
                pltpu.sync_copy(idx_hbm.at[u], idx_v[k])

        @pl.loop(0, d_per_c)
        def _body(j):
            @pl.when(s == 0)
            def _stage():
                pltpu.sync_copy(wT_hbm.at[d0 + j], col)
            plsc.subcore_barrier()
            gat(0).start()
            for k in range(n_u):
                u = s + k * _NS
                if k + 1 < n_u:
                    un = s + (k + 1) * _NS
                    @pl.when(un < NU)
                    def _nxt(k=k):
                        gat(k + 1).start()
                @pl.when(u < NU)
                def _one(k=k, u=u):
                    h = u // 4
                    bh = u % 4
                    gat(k).wait()
                    boff = pl.multiple_of(bh * BH, BH)
                    pltpu.sync_copy(dst_v[k % 2], out_hbm.at[h * D + d0 + j, pl.ds(boff, BH)])
            plsc.subcore_barrier()

    out2 = emb(idx2, wT)
    return out2.reshape(H, D, B).transpose(2, 0, 1)

# --- scband reference (transcript-rebuilt; emitter-appended) ---
"""Pipeline reference for scband-embedding2-d-6030134083816 (READ-ONLY COPY).

The authoritative reference and input builder live on the scoring server;
editing this copy changes nothing except your own understanding.
"""

import jax, jax.numpy as jnp
import numpy as np

NUM_EMBEDDINGS = 1000000
EMBED_DIM = 64
BATCH = 16384
HIST = 50

def setup_inputs(seed: int = 0) -> dict:
    key = jax.random.key(seed)
    k_idx, k_w = jax.random.split(key)
    input_ = jax.random.randint(k_idx, (BATCH, HIST), 0, NUM_EMBEDDINGS, dtype=jnp.int64 if jax.config.jax_enable_x64 else jnp.int32)
    weight = jax.random.normal(k_w, (NUM_EMBEDDINGS, EMBED_DIM), dtype=jnp.float32)
    return {"input_": input_, "weight": weight}

def reference(input_, weight):
    # Single-device faithful equivalent of the 2D tensor-parallel embedding:
    # weight is all-gathered along the column dim -> full [num_embeddings, embed_dim] table,
    # then a plain embedding lookup (F.embedding == gather rows).
    output = jnp.take(weight, input_, axis=0)
    return output

if __name__ == "__main__":
    import jax
    _d = setup_inputs()
    print(jax.jit(kernel)(*tuple(_d.values())))

</pallas_src>

<mosaic_0001>
#map = affine_map<(d0, d1) -> (0, 0)>
module attributes {stable_mosaic.version = 14 : i64} {
  func.func @emb(%arg0: i32, %arg1: i32, %arg2: memref<200x4096xi32, #tpu.memory_space<hbm>>, %arg3: memref<64x1000000xf32, #tpu.memory_space<hbm>>, %arg4: memref<3200x16384xf32, #tpu.memory_space<hbm>>, %arg5: memref<1000000xf32, #tpu.memory_space<vmem_shared>>, %arg6: memref<4096xi32, #tpu.memory_space<vmem>>, %arg7: memref<4096xi32, #tpu.memory_space<vmem>>, %arg8: memref<4096xi32, #tpu.memory_space<vmem>>, %arg9: memref<4096xi32, #tpu.memory_space<vmem>>, %arg10: memref<4096xi32, #tpu.memory_space<vmem>>, %arg11: memref<4096xi32, #tpu.memory_space<vmem>>, %arg12: memref<4096xi32, #tpu.memory_space<vmem>>, %arg13: memref<4096xi32, #tpu.memory_space<vmem>>, %arg14: memref<4096xi32, #tpu.memory_space<vmem>>, %arg15: memref<4096xi32, #tpu.memory_space<vmem>>, %arg16: memref<4096xi32, #tpu.memory_space<vmem>>, %arg17: memref<4096xi32, #tpu.memory_space<vmem>>, %arg18: memref<4096xi32, #tpu.memory_space<vmem>>, %arg19: memref<4096xf32, #tpu.memory_space<vmem>>, %arg20: memref<4096xf32, #tpu.memory_space<vmem>>, %arg21: memref<!tpu.dma_semaphore, #tpu.memory_space<semaphore_mem>>, %arg22: memref<!tpu.dma_semaphore, #tpu.memory_space<semaphore_mem>>) attributes {dimension_semantics = [#tpu.dimension_semantics<core_parallel>, #tpu.dimension_semantics<subcore_parallel>], iteration_bounds = array<i64: 2, 16>, scalar_prefetch = 0 : i64, scratch_operands = 18 : i64, tpu.core_type = #tpu.core_type<sc_vector_subcore>, window_params = [{transform_indices = #map}, {transform_indices = #map}, {transform_indices = #map}]} {
    %mul3A = arith.constant 32 : i32
    %mul3A_0 = arith.muli %arg0, %mul3A : i32
    %add3A = arith.constant 0 : i32
    %add3A_1 = arith.addi %arg1, %add3A : i32
    %lt3A = arith.constant 200 : i32
    %lt3A_2 = arith.cmpi slt, %add3A_1, %lt3A : i32
    %convert_element_type3A = arith.extui %lt3A_2 : i1 to i32
    %cond3A = arith.constant 0 : i32
    %cond3A_3 = arith.cmpi ne, %convert_element_type3A, %cond3A : i32
    scf.if %cond3A_3 {
      "tpu.region"() ({
        %run_scoped3A = tpu.sem_alloc : memref<!tpu.dma_semaphore, #tpu.memory_space<semaphore_mem>>
        %dma_start3A = arith.constant 0 : i32
        %dma_start3A_92 = tpu.memref_slice %arg2[%add3A_1, %dma_start3A] : memref<200x4096xi32, #tpu.memory_space<hbm>> -> memref<1x4096xi32, #tpu.memory_space<hbm>>
        %dma_start3A_93 = tpu.memref_squeeze %dma_start3A_92 : memref<1x4096xi32, #tpu.memory_space<hbm>> -> memref<4096xi32, #tpu.memory_space<hbm>>
        %dma_start3A_94 = arith.constant 0 : i32
        %dma_start3A_95 = tpu.memref_slice %arg2[%add3A_1, %dma_start3A_94] : memref<200x4096xi32, #tpu.memory_space<hbm>> -> memref<1x4096xi32, #tpu.memory_space<hbm>>
        %dma_start3A_96 = tpu.memref_squeeze %dma_start3A_95 : memref<1x4096xi32, #tpu.memory_space<hbm>> -> memref<4096xi32, #tpu.memory_space<hbm>>
        tpu.enqueue_dma source(%dma_start3A_96 : memref<4096xi32, #tpu.memory_space<hbm>>) target(%arg6 : memref<4096xi32, #tpu.memory_space<vmem>>) target_semaphore(%run_scoped3A : memref<!tpu.dma_semaphore, #tpu.memory_space<semaphore_mem>>)
        %dma_wait3A = arith.constant 0 : i32
        %dma_wait3A_97 = tpu.memref_slice %arg2[%add3A_1, %dma_wait3A] : memref<200x4096xi32, #tpu.memory_space<hbm>> -> memref<1x4096xi32, #tpu.memory_space<hbm>>
        %dma_wait3A_98 = tpu.memref_squeeze %dma_wait3A_97 : memref<1x4096xi32, #tpu.memory_space<hbm>> -> memref<4096xi32, #tpu.memory_space<hbm>>
        %dma_wait3A_99 = arith.constant 0 : i32
        %dma_wait3A_100 = tpu.memref_slice %arg2[%add3A_1, %dma_wait3A_99] : memref<200x4096xi32, #tpu.memory_space<hbm>> -> memref<1x4096xi32, #tpu.memory_space<hbm>>
        %dma_wait3A_101 = tpu.memref_squeeze %dma_wait3A_100 : memref<1x4096xi32, #tpu.memory_space<hbm>> -> memref<4096xi32, #tpu.memory_space<hbm>>
        tpu.wait_dma2 semaphore(%run_scoped3A : memref<!tpu.dma_semaphore, #tpu.memory_space<semaphore_mem>>) src(%dma_wait3A_101 : memref<4096xi32, #tpu.memory_space<hbm>>) dst(%arg6 : memref<4096xi32, #tpu.memory_space<vmem>>)
        tpu.yield
      }) : () -> ()
    } else {
    }
    %add3A_4 = arith.constant 16 : i32
    %add3A_5 = arith.addi %arg1, %add3A_4 : i32
    %lt3A_6 = arith.constant 200 : i32
    %lt3A_7 = arith.cmpi slt, %add3A_5, %lt3A_6 : i32
    %convert_element_type3A_8 = arith.extui %lt3A_7 : i1 to i32
    %cond3A_9 = arith.constant 0 : i32
    %cond3A_10 = arith.cmpi ne, %convert_element_type3A_8, %cond3A_9 : i32
    scf.if %cond3A_10 {
      "tpu.region"() ({
        %run_scoped3A = tpu.sem_alloc : memref<!tpu.dma_semaphore, #tpu.memory_space<semaphore_mem>>
        %dma_start3A = arith.constant 0 : i32
        %dma_start3A_92 = tpu.memref_slice %arg2[%add3A_5, %dma_start3A] : memref<200x4096xi32, #tpu.memory_space<hbm>> -> memref<1x4096xi32, #tpu.memory_space<hbm>>
        %dma_start3A_93 = tpu.memref_squeeze %dma_start3A_92 : memref<1x4096xi32, #tpu.memory_space<hbm>> -> memref<4096xi32, #tpu.memory_space<hbm>>
        %dma_start3A_94 = arith.constant 0 : i32
        %dma_start3A_95 = tpu.memref_slice %arg2[%add3A_5, %dma_start3A_94] : memref<200x4096xi32, #tpu.memory_space<hbm>> -> memref<1x4096xi32, #tpu.memory_space<hbm>>
        %dma_start3A_96 = tpu.memref_squeeze %dma_start3A_95 : memref<1x4096xi32, #tpu.memory_space<hbm>> -> memref<4096xi32, #tpu.memory_space<hbm>>
        tpu.enqueue_dma source(%dma_start3A_96 : memref<4096xi32, #tpu.memory_space<hbm>>) target(%arg7 : memref<4096xi32, #tpu.memory_space<vmem>>) target_semaphore(%run_scoped3A : memref<!tpu.dma_semaphore, #tpu.memory_space<semaphore_mem>>)
        %dma_wait3A = arith.constant 0 : i32
        %dma_wait3A_97 = tpu.memref_slice %arg2[%add3A_5, %dma_wait3A] : memref<200x4096xi32, #tpu.memory_space<hbm>> -> memref<1x4096xi32, #tpu.memory_space<hbm>>
        %dma_wait3A_98 = tpu.memref_squeeze %dma_wait3A_97 : memref<1x4096xi32, #tpu.memory_space<hbm>> -> memref<4096xi32, #tpu.memory_space<hbm>>
        %dma_wait3A_99 = arith.constant 0 : i32
        %dma_wait3A_100 = tpu.memref_slice %arg2[%add3A_5, %dma_wait3A_99] : memref<200x4096xi32, #tpu.memory_space<hbm>> -> memref<1x4096xi32, #tpu.memory_space<hbm>>
        %dma_wait3A_101 = tpu.memref_squeeze %dma_wait3A_100 : memref<1x4096xi32, #tpu.memory_space<hbm>> -> memref<4096xi32, #tpu.memory_space<hbm>>
        tpu.wait_dma2 semaphore(%run_scoped3A : memref<!tpu.dma_semaphore, #tpu.memory_space<semaphore_mem>>) src(%dma_wait3A_101 : memref<4096xi32, #tpu.memory_space<hbm>>) dst(%arg7 : memref<4096xi32, #tpu.memory_space<vmem>>)
        tpu.yield
      }) : () -> ()
    } else {
    }
    %add3A_11 = arith.constant 32 : i32
    %add3A_12 = arith.addi %arg1, %add3A_11 : i32
    %lt3A_13 = arith.constant 200 : i32
    %lt3A_14 = arith.cmpi slt, %add3A_12, %lt3A_13 : i32
    %convert_element_type3A_15 = arith.extui %lt3A_14 : i1 to i32
    %cond3A_16 = arith.constant 0 : i32
    %cond3A_17 = arith.cmpi ne, %convert_element_type3A_15, %cond3A_16 : i32
    scf.if %cond3A_17 {
      "tpu.region"() ({
        %run_scoped3A = tpu.sem_alloc : memref<!tpu.dma_semaphore, #tpu.memory_space<semaphore_mem>>
        %dma_start3A = arith.constant 0 : i32
        %dma_start3A_92 = tpu.memref_slice %arg2[%add3A_12, %dma_start3A] : memref<200x4096xi32, #tpu.memory_space<hbm>> -> memref<1x4096xi32, #tpu.memory_space<hbm>>
        %dma_start3A_93 = tpu.memref_squeeze %dma_start3A_92 : memref<1x4096xi32, #tpu.memory_space<hbm>> -> memref<4096xi32, #tpu.memory_space<hbm>>
        %dma_start3A_94 = arith.constant 0 : i32
        %dma_start3A_95 = tpu.memref_slice %arg2[%add3A_12, %dma_start3A_94] : memref<200x4096xi32, #tpu.memory_space<hbm>> -> memref<1x4096xi32, #tpu.memory_space<hbm>>
        %dma_start3A_96 = tpu.memref_squeeze %dma_start3A_95 : memref<1x4096xi32, #tpu.memory_space<hbm>> -> memref<4096xi32, #tpu.memory_space<hbm>>
        tpu.enqueue_dma source(%dma_start3A_96 : memref<4096xi32, #tpu.memory_space<hbm>>) target(%arg8 : memref<4096xi32, #tpu.memory_space<vmem>>) target_semaphore(%run_scoped3A : memref<!tpu.dma_semaphore, #tpu.memory_space<semaphore_mem>>)
        %dma_wait3A = arith.constant 0 : i32
        %dma_wait3A_97 = tpu.memref_slice %arg2[%add3A_12, %dma_wait3A] : memref<200x4096xi32, #tpu.memory_space<hbm>> -> memref<1x4096xi32, #tpu.memory_space<hbm>>
        %dma_wait3A_98 = tpu.memref_squeeze %dma_wait3A_97 : memref<1x4096xi32, #tpu.memory_space<hbm>> -> memref<4096xi32, #tpu.memory_space<hbm>>
        %dma_wait3A_99 = arith.constant 0 : i32
        %dma_wait3A_100 = tpu.memref_slice %arg2[%add3A_12, %dma_wait3A_99] : memref<200x4096xi32, #tpu.memory_space<hbm>> -> memref<1x4096xi32, #tpu.memory_space<hbm>>
        %dma_wait3A_101 = tpu.memref_squeeze %dma_wait3A_100 : memref<1x4096xi32, #tpu.memory_space<hbm>> -> memref<4096xi32, #tpu.memory_space<hbm>>
        tpu.wait_dma2 semaphore(%run_scoped3A : memref<!tpu.dma_semaphore, #tpu.memory_space<semaphore_mem>>) src(%dma_wait3A_101 : memref<4096xi32, #tpu.memory_space<hbm>>) dst(%arg8 : memref<4096xi32, #tpu.memory_space<vmem>>)
        tpu.yield
      }) : () -> ()
    } else {
    }
    %add3A_18 = arith.constant 48 : i32
    %add3A_19 = arith.addi %arg1, %add3A_18 : i32
    %lt3A_20 = arith.constant 200 : i32
    %lt3A_21 = arith.cmpi slt, %add3A_19, %lt3A_20 : i32
    %convert_element_type3A_22 = arith.extui %lt3A_21 : i1 to i32
    %cond3A_23 = arith.constant 0 : i32
    %cond3A_24 = arith.cmpi ne, %convert_element_type3A_22, %cond3A_23 : i32
    scf.if %cond3A_24 {
      "tpu.region"() ({
        %run_scoped3A = tpu.sem_alloc : memref<!tpu.dma_semaphore, #tpu.memory_space<semaphore_mem>>
        %dma_start3A = arith.constant 0 : i32
        %dma_start3A_92 = tpu.memref_slice %arg2[%add3A_19, %dma_start3A] : memref<200x4096xi32, #tpu.memory_space<hbm>> -> memref<1x4096xi32, #tpu.memory_space<hbm>>
        %dma_start3A_93 = tpu.memref_squeeze %dma_start3A_92 : memref<1x4096xi32, #tpu.memory_space<hbm>> -> memref<4096xi32, #tpu.memory_space<hbm>>
        %dma_start3A_94 = arith.constant 0 : i32
        %dma_start3A_95 = tpu.memref_slice %arg2[%add3A_19, %dma_start3A_94] : memref<200x4096xi32, #tpu.memory_space<hbm>> -> memref<1x4096xi32, #tpu.memory_space<hbm>>
        %dma_start3A_96 = tpu.memref_squeeze %dma_start3A_95 : memref<1x4096xi32, #tpu.memory_space<hbm>> -> memref<4096xi32, #tpu.memory_space<hbm>>
        tpu.enqueue_dma source(%dma_start3A_96 : memref<4096xi32, #tpu.memory_space<hbm>>) target(%arg9 : memref<4096xi32, #tpu.memory_space<vmem>>) target_semaphore(%run_scoped3A : memref<!tpu.dma_semaphore, #tpu.memory_space<semaphore_mem>>)
        %dma_wait3A = arith.constant 0 : i32
        %dma_wait3A_97 = tpu.memref_slice %arg2[%add3A_19, %dma_wait3A] : memref<200x4096xi32, #tpu.memory_space<hbm>> -> memref<1x4096xi32, #tpu.memory_space<hbm>>
        %dma_wait3A_98 = tpu.memref_squeeze %dma_wait3A_97 : memref<1x4096xi32, #tpu.memory_space<hbm>> -> memref<4096xi32, #tpu.memory_space<hbm>>
        %dma_wait3A_99 = arith.constant 0 : i32
        %dma_wait3A_100 = tpu.memref_slice %arg2[%add3A_19, %dma_wait3A_99] : memref<200x4096xi32, #tpu.memory_space<hbm>> -> memref<1x4096xi32, #tpu.memory_space<hbm>>
        %dma_wait3A_101 = tpu.memref_squeeze %dma_wait3A_100 : memref<1x4096xi32, #tpu.memory_space<hbm>> -> memref<4096xi32, #tpu.memory_space<hbm>>
        tpu.wait_dma2 semaphore(%run_scoped3A : memref<!tpu.dma_semaphore, #tpu.memory_space<semaphore_mem>>) src(%dma_wait3A_101 : memref<4096xi32, #tpu.memory_space<hbm>>) dst(%arg9 : memref<4096xi32, #tpu.memory_space<vmem>>)
        tpu.yield
      }) : () -> ()
    } else {
    }
    %add3A_25 = arith.constant 64 : i32
    %add3A_26 = arith.addi %arg1, %add3A_25 : i32
    %lt3A_27 = arith.constant 200 : i32
    %lt3A_28 = arith.cmpi slt, %add3A_26, %lt3A_27 : i32
    %convert_element_type3A_29 = arith.extui %lt3A_28 : i1 to i32
    %cond3A_30 = arith.constant 0 : i32
    %cond3A_31 = arith.cmpi ne, %convert_element_type3A_29, %cond3A_30 : i32
    scf.if %cond3A_31 {
      "tpu.region"() ({
        %run_scoped3A = tpu.sem_alloc : memref<!tpu.dma_semaphore, #tpu.memory_space<semaphore_mem>>
        %dma_start3A = arith.constant 0 : i32
        %dma_start3A_92 = tpu.memref_slice %arg2[%add3A_26, %dma_start3A] : memref<200x4096xi32, #tpu.memory_space<hbm>> -> memref<1x4096xi32, #tpu.memory_space<hbm>>
        %dma_start3A_93 = tpu.memref_squeeze %dma_start3A_92 : memref<1x4096xi32, #tpu.memory_space<hbm>> -> memref<4096xi32, #tpu.memory_space<hbm>>
        %dma_start3A_94 = arith.constant 0 : i32
        %dma_start3A_95 = tpu.memref_slice %arg2[%add3A_26, %dma_start3A_94] : memref<200x4096xi32, #tpu.memory_space<hbm>> -> memref<1x4096xi32, #tpu.memory_space<hbm>>
        %dma_start3A_96 = tpu.memref_squeeze %dma_start3A_95 : memref<1x4096xi32, #tpu.memory_space<hbm>> -> memref<4096xi32, #tpu.memory_space<hbm>>
        tpu.enqueue_dma source(%dma_start3A_96 : memref<4096xi32, #tpu.memory_space<hbm>>) target(%arg10 : memref<4096xi32, #tpu.memory_space<vmem>>) target_semaphore(%run_scoped3A : memref<!tpu.dma_semaphore, #tpu.memory_space<semaphore_mem>>)
        %dma_wait3A = arith.constant 0 : i32
        %dma_wait3A_97 = tpu.memref_slice %arg2[%add3A_26, %dma_wait3A] : memref<200x4096xi32, #tpu.memory_space<hbm>> -> memref<1x4096xi32, #tpu.memory_space<hbm>>
        %dma_wait3A_98 = tpu.memref_squeeze %dma_wait3A_97 : memref<1x4096xi32, #tpu.memory_space<hbm>> -> memref<4096xi32, #tpu.memory_space<hbm>>
        %dma_wait3A_99 = arith.constant 0 : i32
        %dma_wait3A_100 = tpu.memref_slice %arg2[%add3A_26, %dma_wait3A_99] : memref<200x4096xi32, #tpu.memory_space<hbm>> -> memref<1x4096xi32, #tpu.memory_space<hbm>>
        %dma_wait3A_101 = tpu.memref_squeeze %dma_wait3A_100 : memref<1x4096xi32, #tpu.memory_space<hbm>> -> memref<4096xi32, #tpu.memory_space<hbm>>
        tpu.wait_dma2 semaphore(%run_scoped3A : memref<!tpu.dma_semaphore, #tpu.memory_space<semaphore_mem>>) src(%dma_wait3A_101 : memref<4096xi32, #tpu.memory_space<hbm>>) dst(%arg10 : memref<4096xi32, #tpu.memory_space<vmem>>)
        tpu.yield
      }) : () -> ()
    } else {
    }
    %add3A_32 = arith.constant 80 : i32
    %add3A_33 = arith.addi %arg1, %add3A_32 : i32
    %lt3A_34 = arith.constant 200 : i32
    %lt3A_35 = arith.cmpi slt, %add3A_33, %lt3A_34 : i32
    %convert_element_type3A_36 = arith.extui %lt3A_35 : i1 to i32
    %cond3A_37 = arith.constant 0 : i32
    %cond3A_38 = arith.cmpi ne, %convert_element_type3A_36, %cond3A_37 : i32
    scf.if %cond3A_38 {
      "tpu.region"() ({
        %run_scoped3A = tpu.sem_alloc : memref<!tpu.dma_semaphore, #tpu.memory_space<semaphore_mem>>
        %dma_start3A = arith.constant 0 : i32
        %dma_start3A_92 = tpu.memref_slice %arg2[%add3A_33, %dma_start3A] : memref<200x4096xi32, #tpu.memory_space<hbm>> -> memref<1x4096xi32, #tpu.memory_space<hbm>>
        %dma_start3A_93 = tpu.memref_squeeze %dma_start3A_92 : memref<1x4096xi32, #tpu.memory_space<hbm>> -> memref<4096xi32, #tpu.memory_space<hbm>>
        %dma_start3A_94 = arith.constant 0 : i32
        %dma_start3A_95 = tpu.memref_slice %arg2[%add3A_33, %dma_start3A_94] : memref<200x4096xi32, #tpu.memory_space<hbm>> -> memref<1x4096xi32, #tpu.memory_space<hbm>>
        %dma_start3A_96 = tpu.memref_squeeze %dma_start3A_95 : memref<1x4096xi32, #tpu.memory_space<hbm>> -> memref<4096xi32, #tpu.memory_space<hbm>>
        tpu.enqueue_dma source(%dma_start3A_96 : memref<4096xi32, #tpu.memory_space<hbm>>) target(%arg11 : memref<4096xi32, #tpu.memory_space<vmem>>) target_semaphore(%run_scoped3A : memref<!tpu.dma_semaphore, #tpu.memory_space<semaphore_mem>>)
        %dma_wait3A = arith.constant 0 : i32
        %dma_wait3A_97 = tpu.memref_slice %arg2[%add3A_33, %dma_wait3A] : memref<200x4096xi32, #tpu.memory_space<hbm>> -> memref<1x4096xi32, #tpu.memory_space<hbm>>
        %dma_wait3A_98 = tpu.memref_squeeze %dma_wait3A_97 : memref<1x4096xi32, #tpu.memory_space<hbm>> -> memref<4096xi32, #tpu.memory_space<hbm>>
        %dma_wait3A_99 = arith.constant 0 : i32
        %dma_wait3A_100 = tpu.memref_slice %arg2[%add3A_33, %dma_wait3A_99] : memref<200x4096xi32, #tpu.memory_space<hbm>> -> memref<1x4096xi32, #tpu.memory_space<hbm>>
        %dma_wait3A_101 = tpu.memref_squeeze %dma_wait3A_100 : memref<1x4096xi32, #tpu.memory_space<hbm>> -> memref<4096xi32, #tpu.memory_space<hbm>>
        tpu.wait_dma2 semaphore(%run_scoped3A : memref<!tpu.dma_semaphore, #tpu.memory_space<semaphore_mem>>) src(%dma_wait3A_101 : memref<4096xi32, #tpu.memory_space<hbm>>) dst(%arg11 : memref<4096xi32, #tpu.memory_space<vmem>>)
        tpu.yield
      }) : () -> ()
    } else {
    }
    %add3A_39 = arith.constant 96 : i32
    %add3A_40 = arith.addi %arg1, %add3A_39 : i32
    %lt3A_41 = arith.constant 200 : i32
    %lt3A_42 = arith.cmpi slt, %add3A_40, %lt3A_41 : i32
    %convert_element_type3A_43 = arith.extui %lt3A_42 : i1 to i32
    %cond3A_44 = arith.constant 0 : i32
    %cond3A_45 = arith.cmpi ne, %convert_element_type3A_43, %cond3A_44 : i32
    scf.if %cond3A_45 {
      "tpu.region"() ({
        %run_scoped3A = tpu.sem_alloc : memref<!tpu.dma_semaphore, #tpu.memory_space<semaphore_mem>>
        %dma_start3A = arith.constant 0 : i32
        %dma_start3A_92 = tpu.memref_slice %arg2[%add3A_40, %dma_start3A] : memref<200x4096xi32, #tpu.memory_space<hbm>> -> memref<1x4096xi32, #tpu.memory_space<hbm>>
        %dma_start3A_93 = tpu.memref_squeeze %dma_start3A_92 : memref<1x4096xi32, #tpu.memory_space<hbm>> -> memref<4096xi32, #tpu.memory_space<hbm>>
        %dma_start3A_94 = arith.constant 0 : i32
        %dma_start3A_95 = tpu.memref_slice %arg2[%add3A_40, %dma_start3A_94] : memref<200x4096xi32, #tpu.memory_space<hbm>> -> memref<1x4096xi32, #tpu.memory_space<hbm>>
        %dma_start3A_96 = tpu.memref_squeeze %dma_start3A_95 : memref<1x4096xi32, #tpu.memory_space<hbm>> -> memref<4096xi32, #tpu.memory_space<hbm>>
        tpu.enqueue_dma source(%dma_start3A_96 : memref<4096xi32, #tpu.memory_space<hbm>>) target(%arg12 : memref<4096xi32, #tpu.memory_space<vmem>>) target_semaphore(%run_scoped3A : memref<!tpu.dma_semaphore, #tpu.memory_space<semaphore_mem>>)
        %dma_wait3A = arith.constant 0 : i32
        %dma_wait3A_97 = tpu.memref_slice %arg2[%add3A_40, %dma_wait3A] : memref<200x4096xi32, #tpu.memory_space<hbm>> -> memref<1x4096xi32, #tpu.memory_space<hbm>>
        %dma_wait3A_98 = tpu.memref_squeeze %dma_wait3A_97 : memref<1x4096xi32, #tpu.memory_space<hbm>> -> memref<4096xi32, #tpu.memory_space<hbm>>
        %dma_wait3A_99 = arith.constant 0 : i32
        %dma_wait3A_100 = tpu.memref_slice %arg2[%add3A_40, %dma_wait3A_99] : memref<200x4096xi32, #tpu.memory_space<hbm>> -> memref<1x4096xi32, #tpu.memory_space<hbm>>
        %dma_wait3A_101 = tpu.memref_squeeze %dma_wait3A_100 : memref<1x4096xi32, #tpu.memory_space<hbm>> -> memref<4096xi32, #tpu.memory_space<hbm>>
        tpu.wait_dma2 semaphore(%run_scoped3A : memref<!tpu.dma_semaphore, #tpu.memory_space<semaphore_mem>>) src(%dma_wait3A_101 : memref<4096xi32, #tpu.memory_space<hbm>>) dst(%arg12 : memref<4096xi32, #tpu.memory_space<vmem>>)
        tpu.yield
      }) : () -> ()
    } else {
    }
    %add3A_46 = arith.constant 112 : i32
    %add3A_47 = arith.addi %arg1, %add3A_46 : i32
    %lt3A_48 = arith.constant 200 : i32
    %lt3A_49 = arith.cmpi slt, %add3A_47, %lt3A_48 : i32
    %convert_element_type3A_50 = arith.extui %lt3A_49 : i1 to i32
    %cond3A_51 = arith.constant 0 : i32
    %cond3A_52 = arith.cmpi ne, %convert_element_type3A_50, %cond3A_51 : i32
    scf.if %cond3A_52 {
      "tpu.region"() ({
        %run_scoped3A = tpu.sem_alloc : memref<!tpu.dma_semaphore, #tpu.memory_space<semaphore_mem>>
        %dma_start3A = arith.constant 0 : i32
        %dma_start3A_92 = tpu.memref_slice %arg2[%add3A_47, %dma_start3A] : memref<200x4096xi32, #tpu.memory_space<hbm>> -> memref<1x4096xi32, #tpu.memory_space<hbm>>
        %dma_start3A_93 = tpu.memref_squeeze %dma_start3A_92 : memref<1x4096xi32, #tpu.memory_space<hbm>> -> memref<4096xi32, #tpu.memory_space<hbm>>
        %dma_start3A_94 = arith.constant 0 : i32
        %dma_start3A_95 = tpu.memref_slice %arg2[%add3A_47, %dma_start3A_94] : memref<200x4096xi32, #tpu.memory_space<hbm>> -> memref<1x4096xi32, #tpu.memory_space<hbm>>
        %dma_start3A_96 = tpu.memref_squeeze %dma_start3A_95 : memref<1x4096xi32, #tpu.memory_space<hbm>> -> memref<4096xi32, #tpu.memory_space<hbm>>
        tpu.enqueue_dma source(%dma_start3A_96 : memref<4096xi32, #tpu.memory_space<hbm>>) target(%arg13 : memref<4096xi32, #tpu.memory_space<vmem>>) target_semaphore(%run_scoped3A : memref<!tpu.dma_semaphore, #tpu.memory_space<semaphore_mem>>)
        %dma_wait3A = arith.constant 0 : i32
        %dma_wait3A_97 = tpu.memref_slice %arg2[%add3A_47, %dma_wait3A] : memref<200x4096xi32, #tpu.memory_space<hbm>> -> memref<1x4096xi32, #tpu.memory_space<hbm>>
        %dma_wait3A_98 = tpu.memref_squeeze %dma_wait3A_97 : memref<1x4096xi32, #tpu.memory_space<hbm>> -> memref<4096xi32, #tpu.memory_space<hbm>>
        %dma_wait3A_99 = arith.constant 0 : i32
        %dma_wait3A_100 = tpu.memref_slice %arg2[%add3A_47, %dma_wait3A_99] : memref<200x4096xi32, #tpu.memory_space<hbm>> -> memref<1x4096xi32, #tpu.memory_space<hbm>>
        %dma_wait3A_101 = tpu.memref_squeeze %dma_wait3A_100 : memref<1x4096xi32, #tpu.memory_space<hbm>> -> memref<4096xi32, #tpu.memory_space<hbm>>
        tpu.wait_dma2 semaphore(%run_scoped3A : memref<!tpu.dma_semaphore, #tpu.memory_space<semaphore_mem>>) src(%dma_wait3A_101 : memref<4096xi32, #tpu.memory_space<hbm>>) dst(%arg13 : memref<4096xi32, #tpu.memory_space<vmem>>)
        tpu.yield
      }) : () -> ()
    } else {
    }
    %add3A_53 = arith.constant 128 : i32
    %add3A_54 = arith.addi %arg1, %add3A_53 : i32
    %lt3A_55 = arith.constant 200 : i32
    %lt3A_56 = arith.cmpi slt, %add3A_54, %lt3A_55 : i32
    %convert_element_type3A_57 = arith.extui %lt3A_56 : i1 to i32
    %cond3A_58 = arith.constant 0 : i32
    %cond3A_59 = arith.cmpi ne, %convert_element_type3A_57, %cond3A_58 : i32
    scf.if %cond3A_59 {
      "tpu.region"() ({
        %run_scoped3A = tpu.sem_alloc : memref<!tpu.dma_semaphore, #tpu.memory_space<semaphore_mem>>
        %dma_start3A = arith.constant 0 : i32
        %dma_start3A_92 = tpu.memref_slice %arg2[%add3A_54, %dma_start3A] : memref<200x4096xi32, #tpu.memory_space<hbm>> -> memref<1x4096xi32, #tpu.memory_space<hbm>>
        %dma_start3A_93 = tpu.memref_squeeze %dma_start3A_92 : memref<1x4096xi32, #tpu.memory_space<hbm>> -> memref<4096xi32, #tpu.memory_space<hbm>>
        %dma_start3A_94 = arith.constant 0 : i32
        %dma_start3A_95 = tpu.memref_slice %arg2[%add3A_54, %dma_start3A_94] : memref<200x4096xi32, #tpu.memory_space<hbm>> -> memref<1x4096xi32, #tpu.memory_space<hbm>>
        %dma_start3A_96 = tpu.memref_squeeze %dma_start3A_95 : memref<1x4096xi32, #tpu.memory_space<hbm>> -> memref<4096xi32, #tpu.memory_space<hbm>>
        tpu.enqueue_dma source(%dma_start3A_96 : memref<4096xi32, #tpu.memory_space<hbm>>) target(%arg14 : memref<4096xi32, #tpu.memory_space<vmem>>) target_semaphore(%run_scoped3A : memref<!tpu.dma_semaphore, #tpu.memory_space<semaphore_mem>>)
        %dma_wait3A = arith.constant 0 : i32
        %dma_wait3A_97 = tpu.memref_slice %arg2[%add3A_54, %dma_wait3A] : memref<200x4096xi32, #tpu.memory_space<hbm>> -> memref<1x4096xi32, #tpu.memory_space<hbm>>
        %dma_wait3A_98 = tpu.memref_squeeze %dma_wait3A_97 : memref<1x4096xi32, #tpu.memory_space<hbm>> -> memref<4096xi32, #tpu.memory_space<hbm>>
        %dma_wait3A_99 = arith.constant 0 : i32
        %dma_wait3A_100 = tpu.memref_slice %arg2[%add3A_54, %dma_wait3A_99] : memref<200x4096xi32, #tpu.memory_space<hbm>> -> memref<1x4096xi32, #tpu.memory_space<hbm>>
        %dma_wait3A_101 = tpu.memref_squeeze %dma_wait3A_100 : memref<1x4096xi32, #tpu.memory_space<hbm>> -> memref<4096xi32, #tpu.memory_space<hbm>>
        tpu.wait_dma2 semaphore(%run_scoped3A : memref<!tpu.dma_semaphore, #tpu.memory_space<semaphore_mem>>) src(%dma_wait3A_101 : memref<4096xi32, #tpu.memory_space<hbm>>) dst(%arg14 : memref<4096xi32, #tpu.memory_space<vmem>>)
        tpu.yield
      }) : () -> ()
    } else {
    }
    %add3A_60 = arith.constant 144 : i32
    %add3A_61 = arith.addi %arg1, %add3A_60 : i32
    %lt3A_62 = arith.constant 200 : i32
    %lt3A_63 = arith.cmpi slt, %add3A_61, %lt3A_62 : i32
    %convert_element_type3A_64 = arith.extui %lt3A_63 : i1 to i32
    %cond3A_65 = arith.constant 0 : i32
    %cond3A_66 = arith.cmpi ne, %convert_element_type3A_64, %cond3A_65 : i32
    scf.if %cond3A_66 {
      "tpu.region"() ({
        %run_scoped3A = tpu.sem_alloc : memref<!tpu.dma_semaphore, #tpu.memory_space<semaphore_mem>>
        %dma_start3A = arith.constant 0 : i32
        %dma_start3A_92 = tpu.memref_slice %arg2[%add3A_61, %dma_start3A] : memref<200x4096xi32, #tpu.memory_space<hbm>> -> memref<1x4096xi32, #tpu.memory_space<hbm>>
        %dma_start3A_93 = tpu.memref_squeeze %dma_start3A_92 : memref<1x4096xi32, #tpu.memory_space<hbm>> -> memref<4096xi32, #tpu.memory_space<hbm>>
        %dma_start3A_94 = arith.constant 0 : i32
        %dma_start3A_95 = tpu.memref_slice %arg2[%add3A_61, %dma_start3A_94] : memref<200x4096xi32, #tpu.memory_space<hbm>> -> memref<1x4096xi32, #tpu.memory_space<hbm>>
        %dma_start3A_96 = tpu.memref_squeeze %dma_start3A_95 : memref<1x4096xi32, #tpu.memory_space<hbm>> -> memref<4096xi32, #tpu.memory_space<hbm>>
        tpu.enqueue_dma source(%dma_start3A_96 : memref<4096xi32, #tpu.memory_space<hbm>>) target(%arg15 : memref<4096xi32, #tpu.memory_space<vmem>>) target_semaphore(%run_scoped3A : memref<!tpu.dma_semaphore, #tpu.memory_space<semaphore_mem>>)
        %dma_wait3A = arith.constant 0 : i32
        %dma_wait3A_97 = tpu.memref_slice %arg2[%add3A_61, %dma_wait3A] : memref<200x4096xi32, #tpu.memory_space<hbm>> -> memref<1x4096xi32, #tpu.memory_space<hbm>>
        %dma_wait3A_98 = tpu.memref_squeeze %dma_wait3A_97 : memref<1x4096xi32, #tpu.memory_space<hbm>> -> memref<4096xi32, #tpu.memory_space<hbm>>
        %dma_wait3A_99 = arith.constant 0 : i32
        %dma_wait3A_100 = tpu.memref_slice %arg2[%add3A_61, %dma_wait3A_99] : memref<200x4096xi32, #tpu.memory_space<hbm>> -> memref<1x4096xi32, #tpu.memory_space<hbm>>
        %dma_wait3A_101 = tpu.memref_squeeze %dma_wait3A_100 : memref<1x4096xi32, #tpu.memory_space<hbm>> -> memref<4096xi32, #tpu.memory_space<hbm>>
        tpu.wait_dma2 semaphore(%run_scoped3A : memref<!tpu.dma_semaphore, #tpu.memory_space<semaphore_mem>>) src(%dma_wait3A_101 : memref<4096xi32, #tpu.memory_space<hbm>>) dst(%arg15 : memref<4096xi32, #tpu.memory_space<vmem>>)
        tpu.yield
      }) : () -> ()
    } else {
    }
    %add3A_67 = arith.constant 160 : i32
    %add3A_68 = arith.addi %arg1, %add3A_67 : i32
    %lt3A_69 = arith.constant 200 : i32
    %lt3A_70 = arith.cmpi slt, %add3A_68, %lt3A_69 : i32
    %convert_element_type3A_71 = arith.extui %lt3A_70 : i1 to i32
    %cond3A_72 = arith.constant 0 : i32
    %cond3A_73 = arith.cmpi ne, %convert_element_type3A_71, %cond3A_72 : i32
    scf.if %cond3A_73 {
      "tpu.region"() ({
        %run_scoped3A = tpu.sem_alloc : memref<!tpu.dma_semaphore, #tpu.memory_space<semaphore_mem>>
        %dma_start3A = arith.constant 0 : i32
        %dma_start3A_92 = tpu.memref_slice %arg2[%add3A_68, %dma_start3A] : memref<200x4096xi32, #tpu.memory_space<hbm>> -> memref<1x4096xi32, #tpu.memory_space<hbm>>
        %dma_start3A_93 = tpu.memref_squeeze %dma_start3A_92 : memref<1x4096xi32, #tpu.memory_space<hbm>> -> memref<4096xi32, #tpu.memory_space<hbm>>
        %dma_start3A_94 = arith.constant 0 : i32
        %dma_start3A_95 = tpu.memref_slice %arg2[%add3A_68, %dma_start3A_94] : memref<200x4096xi32, #tpu.memory_space<hbm>> -> memref<1x4096xi32, #tpu.memory_space<hbm>>
        %dma_start3A_96 = tpu.memref_squeeze %dma_start3A_95 : memref<1x4096xi32, #tpu.memory_space<hbm>> -> memref<4096xi32, #tpu.memory_space<hbm>>
        tpu.enqueue_dma source(%dma_start3A_96 : memref<4096xi32, #tpu.memory_space<hbm>>) target(%arg16 : memref<4096xi32, #tpu.memory_space<vmem>>) target_semaphore(%run_scoped3A : memref<!tpu.dma_semaphore, #tpu.memory_space<semaphore_mem>>)
        %dma_wait3A = arith.constant 0 : i32
        %dma_wait3A_97 = tpu.memref_slice %arg2[%add3A_68, %dma_wait3A] : memref<200x4096xi32, #tpu.memory_space<hbm>> -> memref<1x4096xi32, #tpu.memory_space<hbm>>
        %dma_wait3A_98 = tpu.memref_squeeze %dma_wait3A_97 : memref<1x4096xi32, #tpu.memory_space<hbm>> -> memref<4096xi32, #tpu.memory_space<hbm>>
        %dma_wait3A_99 = arith.constant 0 : i32
        %dma_wait3A_100 = tpu.memref_slice %arg2[%add3A_68, %dma_wait3A_99] : memref<200x4096xi32, #tpu.memory_space<hbm>> -> memref<1x4096xi32, #tpu.memory_space<hbm>>
        %dma_wait3A_101 = tpu.memref_squeeze %dma_wait3A_100 : memref<1x4096xi32, #tpu.memory_space<hbm>> -> memref<4096xi32, #tpu.memory_space<hbm>>
        tpu.wait_dma2 semaphore(%run_scoped3A : memref<!tpu.dma_semaphore, #tpu.memory_space<semaphore_mem>>) src(%dma_wait3A_101 : memref<4096xi32, #tpu.memory_space<hbm>>) dst(%arg16 : memref<4096xi32, #tpu.memory_space<vmem>>)
        tpu.yield
      }) : () -> ()
    } else {
    }
    %add3A_74 = arith.constant 176 : i32
    %add3A_75 = arith.addi %arg1, %add3A_74 : i32
    %lt3A_76 = arith.constant 200 : i32
    %lt3A_77 = arith.cmpi slt, %add3A_75, %lt3A_76 : i32
    %convert_element_type3A_78 = arith.extui %lt3A_77 : i1 to i32
    %cond3A_79 = arith.constant 0 : i32
    %cond3A_80 = arith.cmpi ne, %convert_element_type3A_78, %cond3A_79 : i32
    scf.if %cond3A_80 {
      "tpu.region"() ({
        %run_scoped3A = tpu.sem_alloc : memref<!tpu.dma_semaphore, #tpu.memory_space<semaphore_mem>>
        %dma_start3A = arith.constant 0 : i32
        %dma_start3A_92 = tpu.memref_slice %arg2[%add3A_75, %dma_start3A] : memref<200x4096xi32, #tpu.memory_space<hbm>> -> memref<1x4096xi32, #tpu.memory_space<hbm>>
        %dma_start3A_93 = tpu.memref_squeeze %dma_start3A_92 : memref<1x4096xi32, #tpu.memory_space<hbm>> -> memref<4096xi32, #tpu.memory_space<hbm>>
        %dma_start3A_94 = arith.constant 0 : i32
        %dma_start3A_95 = tpu.memref_slice %arg2[%add3A_75, %dma_start3A_94] : memref<200x4096xi32, #tpu.memory_space<hbm>> -> memref<1x4096xi32, #tpu.memory_space<hbm>>
        %dma_start3A_96 = tpu.memref_squeeze %dma_start3A_95 : memref<1x4096xi32, #tpu.memory_space<hbm>> -> memref<4096xi32, #tpu.memory_space<hbm>>
        tpu.enqueue_dma source(%dma_start3A_96 : memref<4096xi32, #tpu.memory_space<hbm>>) target(%arg17 : memref<4096xi32, #tpu.memory_space<vmem>>) target_semaphore(%run_scoped3A : memref<!tpu.dma_semaphore, #tpu.memory_space<semaphore_mem>>)
        %dma_wait3A = arith.constant 0 : i32
        %dma_wait3A_97 = tpu.memref_slice %arg2[%add3A_75, %dma_wait3A] : memref<200x4096xi32, #tpu.memory_space<hbm>> -> memref<1x4096xi32, #tpu.memory_space<hbm>>
        %dma_wait3A_98 = tpu.memref_squeeze %dma_wait3A_97 : memref<1x4096xi32, #tpu.memory_space<hbm>> -> memref<4096xi32, #tpu.memory_space<hbm>>
        %dma_wait3A_99 = arith.constant 0 : i32
        %dma_wait3A_100 = tpu.memref_slice %arg2[%add3A_75, %dma_wait3A_99] : memref<200x4096xi32, #tpu.memory_space<hbm>> -> memref<1x4096xi32, #tpu.memory_space<hbm>>
        %dma_wait3A_101 = tpu.memref_squeeze %dma_wait3A_100 : memref<1x4096xi32, #tpu.memory_space<hbm>> -> memref<4096xi32, #tpu.memory_space<hbm>>
        tpu.wait_dma2 semaphore(%run_scoped3A : memref<!tpu.dma_semaphore, #tpu.memory_space<semaphore_mem>>) src(%dma_wait3A_101 : memref<4096xi32, #tpu.memory_space<hbm>>) dst(%arg17 : memref<4096xi32, #tpu.memory_space<vmem>>)
        tpu.yield
      }) : () -> ()
    } else {
    }
    %add3A_81 = arith.constant 192 : i32
    %add3A_82 = arith.addi %arg1, %add3A_81 : i32
    %lt3A_83 = arith.constant 200 : i32
    %lt3A_84 = arith.cmpi slt, %add3A_82, %lt3A_83 : i32
    %convert_element_type3A_85 = arith.extui %lt3A_84 : i1 to i32
    %cond3A_86 = arith.constant 0 : i32
    %cond3A_87 = arith.cmpi ne, %convert_element_type3A_85, %cond3A_86 : i32
    scf.if %cond3A_87 {
      "tpu.region"() ({
        %run_scoped3A = tpu.sem_alloc : memref<!tpu.dma_semaphore, #tpu.memory_space<semaphore_mem>>
        %dma_start3A = arith.constant 0 : i32
        %dma_start3A_92 = tpu.memref_slice %arg2[%add3A_82, %dma_start3A] : memref<200x4096xi32, #tpu.memory_space<hbm>> -> memref<1x4096xi32, #tpu.memory_space<hbm>>
        %dma_start3A_93 = tpu.memref_squeeze %dma_start3A_92 : memref<1x4096xi32, #tpu.memory_space<hbm>> -> memref<4096xi32, #tpu.memory_space<hbm>>
        %dma_start3A_94 = arith.constant 0 : i32
        %dma_start3A_95 = tpu.memref_slice %arg2[%add3A_82, %dma_start3A_94] : memref<200x4096xi32, #tpu.memory_space<hbm>> -> memref<1x4096xi32, #tpu.memory_space<hbm>>
        %dma_start3A_96 = tpu.memref_squeeze %dma_start3A_95 : memref<1x4096xi32, #tpu.memory_space<hbm>> -> memref<4096xi32, #tpu.memory_space<hbm>>
        tpu.enqueue_dma source(%dma_start3A_96 : memref<4096xi32, #tpu.memory_space<hbm>>) target(%arg18 : memref<4096xi32, #tpu.memory_space<vmem>>) target_semaphore(%run_scoped3A : memref<!tpu.dma_semaphore, #tpu.memory_space<semaphore_mem>>)
        %dma_wait3A = arith.constant 0 : i32
        %dma_wait3A_97 = tpu.memref_slice %arg2[%add3A_82, %dma_wait3A] : memref<200x4096xi32, #tpu.memory_space<hbm>> -> memref<1x4096xi32, #tpu.memory_space<hbm>>
        %dma_wait3A_98 = tpu.memref_squeeze %dma_wait3A_97 : memref<1x4096xi32, #tpu.memory_space<hbm>> -> memref<4096xi32, #tpu.memory_space<hbm>>
        %dma_wait3A_99 = arith.constant 0 : i32
        %dma_wait3A_100 = tpu.memref_slice %arg2[%add3A_82, %dma_wait3A_99] : memref<200x4096xi32, #tpu.memory_space<hbm>> -> memref<1x4096xi32, #tpu.memory_space<hbm>>
        %dma_wait3A_101 = tpu.memref_squeeze %dma_wait3A_100 : memref<1x4096xi32, #tpu.memory_space<hbm>> -> memref<4096xi32, #tpu.memory_space<hbm>>
        tpu.wait_dma2 semaphore(%run_scoped3A : memref<!tpu.dma_semaphore, #tpu.memory_space<semaphore_mem>>) src(%dma_wait3A_101 : memref<4096xi32, #tpu.memory_space<hbm>>) dst(%arg18 : memref<4096xi32, #tpu.memory_space<vmem>>)
        tpu.yield
      }) : () -> ()
    } else {
    }
    %scan3A = arith.constant 0 : i32
    %scan3A_88 = arith.constant 32 : i32
    %scan3A_89 = arith.addi %scan3A, %scan3A_88 : i32
    %scan3A_90 = arith.constant 1 : i32
    scf.for %scan3A_92 = %scan3A to %scan3A_89 step %scan3A_90  : i32 {
      %mul3A_93 = arith.constant 1 : i32
      %mul3A_94 = arith.muli %scan3A_92, %mul3A_93 : i32
      %add3A_95 = arith.constant 0 : i32
      %add3A_96 = arith.addi %add3A_95, %mul3A_94 : i32
      %eq3A = arith.constant 0 : i32
      %eq3A_97 = arith.cmpi eq, %arg1, %eq3A : i32
      %convert_element_type3A_98 = arith.extui %eq3A_97 : i1 to i32
      %cond3A_99 = arith.constant 0 : i32
      %cond3A_100 = arith.cmpi ne, %convert_element_type3A_98, %cond3A_99 : i32
      scf.if %cond3A_100 {
        %add3A_278 = arith.addi %mul3A_0, %add3A_96 : i32
        "tpu.region"() ({
          %run_scoped3A = tpu.sem_alloc : memref<!tpu.dma_semaphore, #tpu.memory_space<semaphore_mem>>
          %dma_start3A_279 = arith.constant 0 : i32
          %dma_start3A_280 = tpu.memref_slice %arg3[%add3A_278, %dma_start3A_279] : memref<64x1000000xf32, #tpu.memory_space<hbm>> -> memref<1x1000000xf32, #tpu.memory_space<hbm>>
          %dma_start3A_281 = tpu.memref_squeeze %dma_start3A_280 : memref<1x1000000xf32, #tpu.memory_space<hbm>> -> memref<1000000xf32, #tpu.memory_space<hbm>>
          tpu.enqueue_dma source(%dma_start3A_281 : memref<1000000xf32, #tpu.memory_space<hbm>>) target(%arg5 : memref<1000000xf32, #tpu.memory_space<vmem_shared>>) target_semaphore(%run_scoped3A : memref<!tpu.dma_semaphore, #tpu.memory_space<semaphore_mem>>)
          %dma_wait3A = arith.constant 0 : i32
          %dma_wait3A_282 = tpu.memref_slice %arg3[%add3A_278, %dma_wait3A] : memref<64x1000000xf32, #tpu.memory_space<hbm>> -> memref<1x1000000xf32, #tpu.memory_space<hbm>>
          %dma_wait3A_283 = tpu.memref_squeeze %dma_wait3A_282 : memref<1x1000000xf32, #tpu.memory_space<hbm>> -> memref<1000000xf32, #tpu.memory_space<hbm>>
          tpu.wait_dma2 semaphore(%run_scoped3A : memref<!tpu.dma_semaphore, #tpu.memory_space<semaphore_mem>>) src(%dma_wait3A_283 : memref<1000000xf32, #tpu.memory_space<hbm>>) dst(%arg5 : memref<1000000xf32, #tpu.memory_space<vmem_shared>>)
          tpu.yield
        }) : () -> ()
      } else {
      }
      %barrier3A = arith.constant 0 : index
      tpu.barrier barrier_id(%barrier3A)
      %dma_start3A = arith.constant 0 : i32
      %dma_start3A_101 = tpu.memref_slice %arg5[%dma_start3A] : memref<1000000xf32, #tpu.memory_space<vmem_shared>> -> memref<1000000xf32, #tpu.memory_space<vmem_shared>>
      tpu.enqueue_indirect_dma source(%dma_start3A_101 : memref<1000000xf32, #tpu.memory_space<vmem_shared>>) target(%arg19 : memref<4096xf32, #tpu.memory_space<vmem>>) offsets(%arg6 : memref<4096xi32, #tpu.memory_space<vmem>>) semaphore(%arg21 : memref<!tpu.dma_semaphore, #tpu.memory_space<semaphore_mem>>)
      %add3A_102 = arith.constant 0 : i32
      %add3A_103 = arith.addi %arg1, %add3A_102 : i32
      %add3A_104 = arith.constant 16 : i32
      %add3A_105 = arith.addi %arg1, %add3A_104 : i32
      %lt3A_106 = arith.constant 200 : i32
      %lt3A_107 = arith.cmpi slt, %add3A_105, %lt3A_106 : i32
      %convert_element_type3A_108 = arith.extui %lt3A_107 : i1 to i32
      %cond3A_109 = arith.constant 0 : i32
      %cond3A_110 = arith.cmpi ne, %convert_element_type3A_108, %cond3A_109 : i32
      scf.if %cond3A_110 {
        %dma_start3A_278 = arith.constant 0 : i32
        %dma_start3A_279 = tpu.memref_slice %arg5[%dma_start3A_278] : memref<1000000xf32, #tpu.memory_space<vmem_shared>> -> memref<1000000xf32, #tpu.memory_space<vmem_shared>>
        tpu.enqueue_indirect_dma source(%dma_start3A_279 : memref<1000000xf32, #tpu.memory_space<vmem_shared>>) target(%arg20 : memref<4096xf32, #tpu.memory_space<vmem>>) offsets(%arg7 : memref<4096xi32, #tpu.memory_space<vmem>>) semaphore(%arg22 : memref<!tpu.dma_semaphore, #tpu.memory_space<semaphore_mem>>)
      } else {
      }
      %lt3A_111 = arith.constant 200 : i32
      %lt3A_112 = arith.cmpi slt, %add3A_103, %lt3A_111 : i32
      %convert_element_type3A_113 = arith.extui %lt3A_112 : i1 to i32
      %cond3A_114 = arith.constant 0 : i32
      %cond3A_115 = arith.cmpi ne, %convert_element_type3A_113, %cond3A_114 : i32
      scf.if %cond3A_115 {
        %jit3A = arith.constant 4 : i32
        %div3A = arith.divsi %add3A_103, %jit3A : i32
        %sign3A = arith.constant 0 : i32
        %sign3A_278 = arith.cmpi sgt, %add3A_103, %sign3A : i32
        %sign3A_279 = arith.extui %sign3A_278 : i1 to i32
        %sign3A_280 = arith.constant 0 : i32
        %sign3A_281 = arith.cmpi slt, %add3A_103, %sign3A_280 : i32
        %sign3A_282 = arith.extui %sign3A_281 : i1 to i32
        %sign3A_283 = arith.subi %sign3A_279, %sign3A_282 : i32
        %sign3A_284 = arith.constant 0 : i32
        %sign3A_285 = arith.cmpi sgt, %jit3A, %sign3A_284 : i32
        %sign3A_286 = arith.extui %sign3A_285 : i1 to i32
        %sign3A_287 = arith.constant 0 : i32
        %sign3A_288 = arith.cmpi slt, %jit3A, %sign3A_287 : i32
        %sign3A_289 = arith.extui %sign3A_288 : i1 to i32
        %sign3A_290 = arith.subi %sign3A_286, %sign3A_289 : i32
        %ne3A = arith.cmpi ne, %sign3A_283, %sign3A_290 : i32
        %rem3A = arith.remsi %add3A_103, %jit3A : i32
        %ne3A_291 = arith.constant 0 : i32
        %ne3A_292 = arith.cmpi ne, %rem3A, %ne3A_291 : i32
        %and3A = arith.andi %ne3A, %ne3A_292 : i1
        %sub3A = arith.constant 1 : i32
        %sub3A_293 = arith.subi %div3A, %sub3A : i32
        %select_n3A = arith.select %and3A, %sub3A_293, %div3A : i32
        %jit3A_294 = arith.constant 4 : i32
        %eq3A_295 = arith.constant 0 : i32
        %eq3A_296 = arith.cmpi eq, %jit3A_294, %eq3A_295 : i32
        %jit3A_297 = arith.constant 1 : i32
        %select_n3A_298 = arith.select %eq3A_296, %jit3A_297, %jit3A_294 : i32
        %rem3A_299 = arith.remsi %add3A_103, %select_n3A_298 : i32
        %ne3A_300 = arith.constant 0 : i32
        %ne3A_301 = arith.cmpi ne, %rem3A_299, %ne3A_300 : i32
        %lt3A_302 = arith.constant 0 : i32
        %lt3A_303 = arith.cmpi slt, %rem3A_299, %lt3A_302 : i32
        %lt3A_304 = arith.constant 0 : i32
        %lt3A_305 = arith.cmpi slt, %select_n3A_298, %lt3A_304 : i32
        %ne3A_306 = arith.xori %lt3A_303, %lt3A_305 : i1
        %and3A_307 = arith.andi %ne3A_306, %ne3A_301 : i1
        %add3A_308 = arith.addi %rem3A_299, %select_n3A_298 : i32
        %select_n3A_309 = arith.select %and3A_307, %add3A_308, %rem3A_299 : i32
        %dma_wait3A = arith.constant 0 : i32
        %dma_wait3A_310 = tpu.memref_slice %arg5[%dma_wait3A] : memref<1000000xf32, #tpu.memory_space<vmem_shared>> -> memref<1000000xf32, #tpu.memory_space<vmem_shared>>
        tpu.wait_indirect_dma semaphore(%arg21 : memref<!tpu.dma_semaphore, #tpu.memory_space<semaphore_mem>>) src(%dma_wait3A_310 : memref<1000000xf32, #tpu.memory_space<vmem_shared>>) dst(%arg19 : memref<4096xf32, #tpu.memory_space<vmem>>)
        %mul3A_311 = arith.constant 4096 : i32
        %mul3A_312 = arith.muli %select_n3A_309, %mul3A_311 : i32
        %multiple_of3A = tpu.assume_multiple %mul3A_312, 4096 : i32
        %mul3A_313 = arith.constant 64 : i32
        %mul3A_314 = arith.muli %select_n3A, %mul3A_313 : i32
        %add3A_315 = arith.addi %mul3A_314, %mul3A_0 : i32
        %add3A_316 = arith.addi %add3A_315, %add3A_96 : i32
        "tpu.region"() ({
          %run_scoped3A = tpu.sem_alloc : memref<!tpu.dma_semaphore, #tpu.memory_space<semaphore_mem>>
          %dma_start3A_317 = tpu.memref_slice %arg4[%add3A_316, %multiple_of3A] : memref<3200x16384xf32, #tpu.memory_space<hbm>> -> memref<1x4096xf32, #tpu.memory_space<hbm>>
          %dma_start3A_318 = tpu.memref_squeeze %dma_start3A_317 : memref<1x4096xf32, #tpu.memory_space<hbm>> -> memref<4096xf32, #tpu.memory_space<hbm>>
          %dma_start3A_319 = tpu.memref_slice %arg4[%add3A_316, %multiple_of3A] : memref<3200x16384xf32, #tpu.memory_space<hbm>> -> memref<1x4096xf32, #tpu.memory_space<hbm>>
          %dma_start3A_320 = tpu.memref_squeeze %dma_start3A_319 : memref<1x4096xf32, #tpu.memory_space<hbm>> -> memref<4096xf32, #tpu.memory_space<hbm>>
          tpu.enqueue_dma source(%arg19 : memref<4096xf32, #tpu.memory_space<vmem>>) target(%dma_start3A_320 : memref<4096xf32, #tpu.memory_space<hbm>>) target_semaphore(%run_scoped3A : memref<!tpu.dma_semaphore, #tpu.memory_space<semaphore_mem>>)
          %dma_wait3A_321 = tpu.memref_slice %arg4[%add3A_316, %multiple_of3A] : memref<3200x16384xf32, #tpu.memory_space<hbm>> -> memref<1x4096xf32, #tpu.memory_space<hbm>>
          %dma_wait3A_322 = tpu.memref_squeeze %dma_wait3A_321 : memref<1x4096xf32, #tpu.memory_space<hbm>> -> memref<4096xf32, #tpu.memory_space<hbm>>
          %dma_wait3A_323 = tpu.memref_slice %arg4[%add3A_316, %multiple_of3A] : memref<3200x16384xf32, #tpu.memory_space<hbm>> -> memref<1x4096xf32, #tpu.memory_space<hbm>>
          %dma_wait3A_324 = tpu.memref_squeeze %dma_wait3A_323 : memref<1x4096xf32, #tpu.memory_space<hbm>> -> memref<4096xf32, #tpu.memory_space<hbm>>
          tpu.wait_dma2 semaphore(%run_scoped3A : memref<!tpu.dma_semaphore, #tpu.memory_space<semaphore_mem>>) src(%arg19 : memref<4096xf32, #tpu.memory_space<vmem>>) dst(%dma_wait3A_324 : memref<4096xf32, #tpu.memory_space<hbm>>)
          tpu.yield
        }) : () -> ()
      } else {
      }
      %add3A_116 = arith.constant 16 : i32
      %add3A_117 = arith.addi %arg1, %add3A_116 : i32
      %add3A_118 = arith.constant 32 : i32
      %add3A_119 = arith.addi %arg1, %add3A_118 : i32
      %lt3A_120 = arith.constant 200 : i32
      %lt3A_121 = arith.cmpi slt, %add3A_119, %lt3A_120 : i32
      %convert_element_type3A_122 = arith.extui %lt3A_121 : i1 to i32
      %cond3A_123 = arith.constant 0 : i32
      %cond3A_124 = arith.cmpi ne, %convert_element_type3A_122, %cond3A_123 : i32
      scf.if %cond3A_124 {
        %dma_start3A_278 = arith.constant 0 : i32
        %dma_start3A_279 = tpu.memref_slice %arg5[%dma_start3A_278] : memref<1000000xf32, #tpu.memory_space<vmem_shared>> -> memref<1000000xf32, #tpu.memory_space<vmem_shared>>
        tpu.enqueue_indirect_dma source(%dma_start3A_279 : memref<1000000xf32, #tpu.memory_space<vmem_shared>>) target(%arg19 : memref<4096xf32, #tpu.memory_space<vmem>>) offsets(%arg8 : memref<4096xi32, #tpu.memory_space<vmem>>) semaphore(%arg21 : memref<!tpu.dma_semaphore, #tpu.memory_space<semaphore_mem>>)
      } else {
      }
      %lt3A_125 = arith.constant 200 : i32
      %lt3A_126 = arith.cmpi slt, %add3A_117, %lt3A_125 : i32
      %convert_element_type3A_127 = arith.extui %lt3A_126 : i1 to i32
      %cond3A_128 = arith.constant 0 : i32
      %cond3A_129 = arith.cmpi ne, %convert_element_type3A_127, %cond3A_128 : i32
      scf.if %cond3A_129 {
        %jit3A = arith.constant 4 : i32
        %div3A = arith.divsi %add3A_117, %jit3A : i32
        %sign3A = arith.constant 0 : i32
        %sign3A_278 = arith.cmpi sgt, %add3A_117, %sign3A : i32
        %sign3A_279 = arith.extui %sign3A_278 : i1 to i32
        %sign3A_280 = arith.constant 0 : i32
        %sign3A_281 = arith.cmpi slt, %add3A_117, %sign3A_280 : i32
        %sign3A_282 = arith.extui %sign3A_281 : i1 to i32
        %sign3A_283 = arith.subi %sign3A_279, %sign3A_282 : i32
        %sign3A_284 = arith.constant 0 : i32
        %sign3A_285 = arith.cmpi sgt, %jit3A, %sign3A_284 : i32
        %sign3A_286 = arith.extui %sign3A_285 : i1 to i32
        %sign3A_287 = arith.constant 0 : i32
        %sign3A_288 = arith.cmpi slt, %jit3A, %sign3A_287 : i32
        %sign3A_289 = arith.extui %sign3A_288 : i1 to i32
        %sign3A_290 = arith.subi %sign3A_286, %sign3A_289 : i32
        %ne3A = arith.cmpi ne, %sign3A_283, %sign3A_290 : i32
        %rem3A = arith.remsi %add3A_117, %jit3A : i32
        %ne3A_291 = arith.constant 0 : i32
        %ne3A_292 = arith.cmpi ne, %rem3A, %ne3A_291 : i32
        %and3A = arith.andi %ne3A, %ne3A_292 : i1
        %sub3A = arith.constant 1 : i32
        %sub3A_293 = arith.subi %div3A, %sub3A : i32
        %select_n3A = arith.select %and3A, %sub3A_293, %div3A : i32
        %jit3A_294 = arith.constant 4 : i32
        %eq3A_295 = arith.constant 0 : i32
        %eq3A_296 = arith.cmpi eq, %jit3A_294, %eq3A_295 : i32
        %jit3A_297 = arith.constant 1 : i32
        %select_n3A_298 = arith.select %eq3A_296, %jit3A_297, %jit3A_294 : i32
        %rem3A_299 = arith.remsi %add3A_117, %select_n3A_298 : i32
        %ne3A_300 = arith.constant 0 : i32
        %ne3A_301 = arith.cmpi ne, %rem3A_299, %ne3A_300 : i32
        %lt3A_302 = arith.constant 0 : i32
        %lt3A_303 = arith.cmpi slt, %rem3A_299, %lt3A_302 : i32
        %lt3A_304 = arith.constant 0 : i32
        %lt3A_305 = arith.cmpi slt, %select_n3A_298, %lt3A_304 : i32
        %ne3A_306 = arith.xori %lt3A_303, %lt3A_305 : i1
        %and3A_307 = arith.andi %ne3A_306, %ne3A_301 : i1
        %add3A_308 = arith.addi %rem3A_299, %select_n3A_298 : i32
        %select_n3A_309 = arith.select %and3A_307, %add3A_308, %rem3A_299 : i32
        %dma_wait3A = arith.constant 0 : i32
        %dma_wait3A_310 = tpu.memref_slice %arg5[%dma_wait3A] : memref<1000000xf32, #tpu.memory_space<vmem_shared>> -> memref<1000000xf32, #tpu.memory_space<vmem_shared>>
        tpu.wait_indirect_dma semaphore(%arg22 : memref<!tpu.dma_semaphore, #tpu.memory_space<semaphore_mem>>) src(%dma_wait3A_310 : memref<1000000xf32, #tpu.memory_space<vmem_shared>>) dst(%arg20 : memref<4096xf32, #tpu.memory_space<vmem>>)
        %mul3A_311 = arith.constant 4096 : i32
        %mul3A_312 = arith.muli %select_n3A_309, %mul3A_311 : i32
        %multiple_of3A = tpu.assume_multiple %mul3A_312, 4096 : i32
        %mul3A_313 = arith.constant 64 : i32
        %mul3A_314 = arith.muli %select_n3A, %mul3A_313 : i32
        %add3A_315 = arith.addi %mul3A_314, %mul3A_0 : i32
        %add3A_316 = arith.addi %add3A_315, %add3A_96 : i32
        "tpu.region"() ({
          %run_scoped3A = tpu.sem_alloc : memref<!tpu.dma_semaphore, #tpu.memory_space<semaphore_mem>>
          %dma_start3A_317 = tpu.memref_slice %arg4[%add3A_316, %multiple_of3A] : memref<3200x16384xf32, #tpu.memory_space<hbm>> -> memref<1x4096xf32, #tpu.memory_space<hbm>>
          %dma_start3A_318 = tpu.memref_squeeze %dma_start3A_317 : memref<1x4096xf32, #tpu.memory_space<hbm>> -> memref<4096xf32, #tpu.memory_space<hbm>>
          %dma_start3A_319 = tpu.memref_slice %arg4[%add3A_316, %multiple_of3A] : memref<3200x16384xf32, #tpu.memory_space<hbm>> -> memref<1x4096xf32, #tpu.memory_space<hbm>>
          %dma_start3A_320 = tpu.memref_squeeze %dma_start3A_319 : memref<1x4096xf32, #tpu.memory_space<hbm>> -> memref<4096xf32, #tpu.memory_space<hbm>>
          tpu.enqueue_dma source(%arg20 : memref<4096xf32, #tpu.memory_space<vmem>>) target(%dma_start3A_320 : memref<4096xf32, #tpu.memory_space<hbm>>) target_semaphore(%run_scoped3A : memref<!tpu.dma_semaphore, #tpu.memory_space<semaphore_mem>>)
          %dma_wait3A_321 = tpu.memref_slice %arg4[%add3A_316, %multiple_of3A] : memref<3200x16384xf32, #tpu.memory_space<hbm>> -> memref<1x4096xf32, #tpu.memory_space<hbm>>
          %dma_wait3A_322 = tpu.memref_squeeze %dma_wait3A_321 : memref<1x4096xf32, #tpu.memory_space<hbm>> -> memref<4096xf32, #tpu.memory_space<hbm>>
          %dma_wait3A_323 = tpu.memref_slice %arg4[%add3A_316, %multiple_of3A] : memref<3200x16384xf32, #tpu.memory_space<hbm>> -> memref<1x4096xf32, #tpu.memory_space<hbm>>
          %dma_wait3A_324 = tpu.memref_squeeze %dma_wait3A_323 : memref<1x4096xf32, #tpu.memory_space<hbm>> -> memref<4096xf32, #tpu.memory_space<hbm>>
          tpu.wait_dma2 semaphore(%run_scoped3A : memref<!tpu.dma_semaphore, #tpu.memory_space<semaphore_mem>>) src(%arg20 : memref<4096xf32, #tpu.memory_space<vmem>>) dst(%dma_wait3A_324 : memref<4096xf32, #tpu.memory_space<hbm>>)
          tpu.yield
        }) : () -> ()
      } else {
      }
      %add3A_130 = arith.constant 32 : i32
      %add3A_131 = arith.addi %arg1, %add3A_130 : i32
      %add3A_132 = arith.constant 48 : i32
      %add3A_133 = arith.addi %arg1, %add3A_132 : i32
      %lt3A_134 = arith.constant 200 : i32
      %lt3A_135 = arith.cmpi slt, %add3A_133, %lt3A_134 : i32
      %convert_element_type3A_136 = arith.extui %lt3A_135 : i1 to i32
      %cond3A_137 = arith.constant 0 : i32
      %cond3A_138 = arith.cmpi ne, %convert_element_type3A_136, %cond3A_137 : i32
      scf.if %cond3A_138 {
        %dma_start3A_278 = arith.constant 0 : i32
        %dma_start3A_279 = tpu.memref_slice %arg5[%dma_start3A_278] : memref<1000000xf32, #tpu.memory_space<vmem_shared>> -> memref<1000000xf32, #tpu.memory_space<vmem_shared>>
        tpu.enqueue_indirect_dma source(%dma_start3A_279 : memref<1000000xf32, #tpu.memory_space<vmem_shared>>) target(%arg20 : memref<4096xf32, #tpu.memory_space<vmem>>) offsets(%arg9 : memref<4096xi32, #tpu.memory_space<vmem>>) semaphore(%arg22 : memref<!tpu.dma_semaphore, #tpu.memory_space<semaphore_mem>>)
      } else {
      }
      %lt3A_139 = arith.constant 200 : i32
      %lt3A_140 = arith.cmpi slt, %add3A_131, %lt3A_139 : i32
      %convert_element_type3A_141 = arith.extui %lt3A_140 : i1 to i32
      %cond3A_142 = arith.constant 0 : i32
      %cond3A_143 = arith.cmpi ne, %convert_element_type3A_141, %cond3A_142 : i32
      scf.if %cond3A_143 {
        %jit3A = arith.constant 4 : i32
        %div3A = arith.divsi %add3A_131, %jit3A : i32
        %sign3A = arith.constant 0 : i32
        %sign3A_278 = arith.cmpi sgt, %add3A_131, %sign3A : i32
        %sign3A_279 = arith.extui %sign3A_278 : i1 to i32
        %sign3A_280 = arith.constant 0 : i32
        %sign3A_281 = arith.cmpi slt, %add3A_131, %sign3A_280 : i32
        %sign3A_282 = arith.extui %sign3A_281 : i1 to i32
        %sign3A_283 = arith.subi %sign3A_279, %sign3A_282 : i32
        %sign3A_284 = arith.constant 0 : i32
        %sign3A_285 = arith.cmpi sgt, %jit3A, %sign3A_284 : i32
        %sign3A_286 = arith.extui %sign3A_285 : i1 to i32
        %sign3A_287 = arith.constant 0 : i32
        %sign3A_288 = arith.cmpi slt, %jit3A, %sign3A_287 : i32
        %sign3A_289 = arith.extui %sign3A_288 : i1 to i32
        %sign3A_290 = arith.subi %sign3A_286, %sign3A_289 : i32
        %ne3A = arith.cmpi ne, %sign3A_283, %sign3A_290 : i32
        %rem3A = arith.remsi %add3A_131, %jit3A : i32
        %ne3A_291 = arith.constant 0 : i32
        %ne3A_292 = arith.cmpi ne, %rem3A, %ne3A_291 : i32
        %and3A = arith.andi %ne3A, %ne3A_292 : i1
        %sub3A = arith.constant 1 : i32
        %sub3A_293 = arith.subi %div3A, %sub3A : i32
        %select_n3A = arith.select %and3A, %sub3A_293, %div3A : i32
        %jit3A_294 = arith.constant 4 : i32
        %eq3A_295 = arith.constant 0 : i32
        %eq3A_296 = arith.cmpi eq, %jit3A_294, %eq3A_295 : i32
        %jit3A_297 = arith.constant 1 : i32
        %select_n3A_298 = arith.select %eq3A_296, %jit3A_297, %jit3A_294 : i32
        %rem3A_299 = arith.remsi %add3A_131, %select_n3A_298 : i32
        %ne3A_300 = arith.constant 0 : i32
        %ne3A_301 = arith.cmpi ne, %rem3A_299, %ne3A_300 : i32
        %lt3A_302 = arith.constant 0 : i32
        %lt3A_303 = arith.cmpi slt, %rem3A_299, %lt3A_302 : i32
        %lt3A_304 = arith.constant 0 : i32
        %lt3A_305 = arith.cmpi slt, %select_n3A_298, %lt3A_304 : i32
        %ne3A_306 = arith.xori %lt3A_303, %lt3A_305 : i1
        %and3A_307 = arith.andi %ne3A_306, %ne3A_301 : i1
        %add3A_308 = arith.addi %rem3A_299, %select_n3A_298 : i32
        %select_n3A_309 = arith.select %and3A_307, %add3A_308, %rem3A_299 : i32
        %dma_wait3A = arith.constant 0 : i32
        %dma_wait3A_310 = tpu.memref_slice %arg5[%dma_wait3A] : memref<1000000xf32, #tpu.memory_space<vmem_shared>> -> memref<1000000xf32, #tpu.memory_space<vmem_shared>>
        tpu.wait_indirect_dma semaphore(%arg21 : memref<!tpu.dma_semaphore, #tpu.memory_space<semaphore_mem>>) src(%dma_wait3A_310 : memref<1000000xf32, #tpu.memory_space<vmem_shared>>) dst(%arg19 : memref<4096xf32, #tpu.memory_space<vmem>>)
        %mul3A_311 = arith.constant 4096 : i32
        %mul3A_312 = arith.muli %select_n3A_309, %mul3A_311 : i32
        %multiple_of3A = tpu.assume_multiple %mul3A_312, 4096 : i32
        %mul3A_313 = arith.constant 64 : i32
        %mul3A_314 = arith.muli %select_n3A, %mul3A_313 : i32
        %add3A_315 = arith.addi %mul3A_314, %mul3A_0 : i32
        %add3A_316 = arith.addi %add3A_315, %add3A_96 : i32
        "tpu.region"() ({
          %run_scoped3A = tpu.sem_alloc : memref<!tpu.dma_semaphore, #tpu.memory_space<semaphore_mem>>
          %dma_start3A_317 = tpu.memref_slice %arg4[%add3A_316, %multiple_of3A] : memref<3200x16384xf32, #tpu.memory_space<hbm>> -> memref<1x4096xf32, #tpu.memory_space<hbm>>
          %dma_start3A_318 = tpu.memref_squeeze %dma_start3A_317 : memref<1x4096xf32, #tpu.memory_space<hbm>> -> memref<4096xf32, #tpu.memory_space<hbm>>
          %dma_start3A_319 = tpu.memref_slice %arg4[%add3A_316, %multiple_of3A] : memref<3200x16384xf32, #tpu.memory_space<hbm>> -> memref<1x4096xf32, #tpu.memory_space<hbm>>
          %dma_start3A_320 = tpu.memref_squeeze %dma_start3A_319 : memref<1x4096xf32, #tpu.memory_space<hbm>> -> memref<4096xf32, #tpu.memory_space<hbm>>
          tpu.enqueue_dma source(%arg19 : memref<4096xf32, #tpu.memory_space<vmem>>) target(%dma_start3A_320 : memref<4096xf32, #tpu.memory_space<hbm>>) target_semaphore(%run_scoped3A : memref<!tpu.dma_semaphore, #tpu.memory_space<semaphore_mem>>)
          %dma_wait3A_321 = tpu.memref_slice %arg4[%add3A_316, %multiple_of3A] : memref<3200x16384xf32, #tpu.memory_space<hbm>> -> memref<1x4096xf32, #tpu.memory_space<hbm>>
          %dma_wait3A_322 = tpu.memref_squeeze %dma_wait3A_321 : memref<1x4096xf32, #tpu.memory_space<hbm>> -> memref<4096xf32, #tpu.memory_space<hbm>>
          %dma_wait3A_323 = tpu.memref_slice %arg4[%add3A_316, %multiple_of3A] : memref<3200x16384xf32, #tpu.memory_space<hbm>> -> memref<1x4096xf32, #tpu.memory_space<hbm>>
          %dma_wait3A_324 = tpu.memref_squeeze %dma_wait3A_323 : memref<1x4096xf32, #tpu.memory_space<hbm>> -> memref<4096xf32, #tpu.memory_space<hbm>>
          tpu.wait_dma2 semaphore(%run_scoped3A : memref<!tpu.dma_semaphore, #tpu.memory_space<semaphore_mem>>) src(%arg19 : memref<4096xf32, #tpu.memory_space<vmem>>) dst(%dma_wait3A_324 : memref<4096xf32, #tpu.memory_space<hbm>>)
          tpu.yield
        }) : () -> ()
      } else {
      }
      %add3A_144 = arith.constant 48 : i32
      %add3A_145 = arith.addi %arg1, %add3A_144 : i32
      %add3A_146 = arith.constant 64 : i32
      %add3A_147 = arith.addi %arg1, %add3A_146 : i32
      %lt3A_148 = arith.constant 200 : i32
      %lt3A_149 = arith.cmpi slt, %add3A_147, %lt3A_148 : i32
      %convert_element_type3A_150 = arith.extui %lt3A_149 : i1 to i32
      %cond3A_151 = arith.constant 0 : i32
      %cond3A_152 = arith.cmpi ne, %convert_element_type3A_150, %cond3A_151 : i32
      scf.if %cond3A_152 {
        %dma_start3A_278 = arith.constant 0 : i32
        %dma_start3A_279 = tpu.memref_slice %arg5[%dma_start3A_278] : memref<1000000xf32, #tpu.memory_space<vmem_shared>> -> memref<1000000xf32, #tpu.memory_space<vmem_shared>>
        tpu.enqueue_indirect_dma source(%dma_start3A_279 : memref<1000000xf32, #tpu.memory_space<vmem_shared>>) target(%arg19 : memref<4096xf32, #tpu.memory_space<vmem>>) offsets(%arg10 : memref<4096xi32, #tpu.memory_space<vmem>>) semaphore(%arg21 : memref<!tpu.dma_semaphore, #tpu.memory_space<semaphore_mem>>)
      } else {
      }
      %lt3A_153 = arith.constant 200 : i32
      %lt3A_154 = arith.cmpi slt, %add3A_145, %lt3A_153 : i32
      %convert_element_type3A_155 = arith.extui %lt3A_154 : i1 to i32
      %cond3A_156 = arith.constant 0 : i32
      %cond3A_157 = arith.cmpi ne, %convert_element_type3A_155, %cond3A_156 : i32
      scf.if %cond3A_157 {
        %jit3A = arith.constant 4 : i32
        %div3A = arith.divsi %add3A_145, %jit3A : i32
        %sign3A = arith.constant 0 : i32
        %sign3A_278 = arith.cmpi sgt, %add3A_145, %sign3A : i32
        %sign3A_279 = arith.extui %sign3A_278 : i1 to i32
        %sign3A_280 = arith.constant 0 : i32
        %sign3A_281 = arith.cmpi slt, %add3A_145, %sign3A_280 : i32
        %sign3A_282 = arith.extui %sign3A_281 : i1 to i32
        %sign3A_283 = arith.subi %sign3A_279, %sign3A_282 : i32
        %sign3A_284 = arith.constant 0 : i32
        %sign3A_285 = arith.cmpi sgt, %jit3A, %sign3A_284 : i32
        %sign3A_286 = arith.extui %sign3A_285 : i1 to i32
        %sign3A_287 = arith.constant 0 : i32
        %sign3A_288 = arith.cmpi slt, %jit3A, %sign3A_287 : i32
        %sign3A_289 = arith.extui %sign3A_288 : i1 to i32
        %sign3A_290 = arith.subi %sign3A_286, %sign3A_289 : i32
        %ne3A = arith.cmpi ne, %sign3A_283, %sign3A_290 : i32
        %rem3A = arith.remsi %add3A_145, %jit3A : i32
        %ne3A_291 = arith.constant 0 : i32
        %ne3A_292 = arith.cmpi ne, %rem3A, %ne3A_291 : i32
        %and3A = arith.andi %ne3A, %ne3A_292 : i1
        %sub3A = arith.constant 1 : i32
        %sub3A_293 = arith.subi %div3A, %sub3A : i32
        %select_n3A = arith.select %and3A, %sub3A_293, %div3A : i32
        %jit3A_294 = arith.constant 4 : i32
        %eq3A_295 = arith.constant 0 : i32
        %eq3A_296 = arith.cmpi eq, %jit3A_294, %eq3A_295 : i32
        %jit3A_297 = arith.constant 1 : i32
        %select_n3A_298 = arith.select %eq3A_296, %jit3A_297, %jit3A_294 : i32
        %rem3A_299 = arith.remsi %add3A_145, %select_n3A_298 : i32
        %ne3A_300 = arith.constant 0 : i32
        %ne3A_301 = arith.cmpi ne, %rem3A_299, %ne3A_300 : i32
        %lt3A_302 = arith.constant 0 : i32
        %lt3A_303 = arith.cmpi slt, %rem3A_299, %lt3A_302 : i32
        %lt3A_304 = arith.constant 0 : i32
        %lt3A_305 = arith.cmpi slt, %select_n3A_298, %lt3A_304 : i32
        %ne3A_306 = arith.xori %lt3A_303, %lt3A_305 : i1
        %and3A_307 = arith.andi %ne3A_306, %ne3A_301 : i1
        %add3A_308 = arith.addi %rem3A_299, %select_n3A_298 : i32
        %select_n3A_309 = arith.select %and3A_307, %add3A_308, %rem3A_299 : i32
        %dma_wait3A = arith.constant 0 : i32
        %dma_wait3A_310 = tpu.memref_slice %arg5[%dma_wait3A] : memref<1000000xf32, #tpu.memory_space<vmem_shared>> -> memref<1000000xf32, #tpu.memory_space<vmem_shared>>
        tpu.wait_indirect_dma semaphore(%arg22 : memref<!tpu.dma_semaphore, #tpu.memory_space<semaphore_mem>>) src(%dma_wait3A_310 : memref<1000000xf32, #tpu.memory_space<vmem_shared>>) dst(%arg20 : memref<4096xf32, #tpu.memory_space<vmem>>)
        %mul3A_311 = arith.constant 4096 : i32
        %mul3A_312 = arith.muli %select_n3A_309, %mul3A_311 : i32
        %multiple_of3A = tpu.assume_multiple %mul3A_312, 4096 : i32
        %mul3A_313 = arith.constant 64 : i32
        %mul3A_314 = arith.muli %select_n3A, %mul3A_313 : i32
        %add3A_315 = arith.addi %mul3A_314, %mul3A_0 : i32
        %add3A_316 = arith.addi %add3A_315, %add3A_96 : i32
        "tpu.region"() ({
          %run_scoped3A = tpu.sem_alloc : memref<!tpu.dma_semaphore, #tpu.memory_space<semaphore_mem>>
          %dma_start3A_317 = tpu.memref_slice %arg4[%add3A_316, %multiple_of3A] : memref<3200x16384xf32, #tpu.memory_space<hbm>> -> memref<1x4096xf32, #tpu.memory_space<hbm>>
          %dma_start3A_318 = tpu.memref_squeeze %dma_start3A_317 : memref<1x4096xf32, #tpu.memory_space<hbm>> -> memref<4096xf32, #tpu.memory_space<hbm>>
          %dma_start3A_319 = tpu.memref_slice %arg4[%add3A_316, %multiple_of3A] : memref<3200x16384xf32, #tpu.memory_space<hbm>> -> memref<1x4096xf32, #tpu.memory_space<hbm>>
          %dma_start3A_320 = tpu.memref_squeeze %dma_start3A_319 : memref<1x4096xf32, #tpu.memory_space<hbm>> -> memref<4096xf32, #tpu.memory_space<hbm>>
          tpu.enqueue_dma source(%arg20 : memref<4096xf32, #tpu.memory_space<vmem>>) target(%dma_start3A_320 : memref<4096xf32, #tpu.memory_space<hbm>>) target_semaphore(%run_scoped3A : memref<!tpu.dma_semaphore, #tpu.memory_space<semaphore_mem>>)
          %dma_wait3A_321 = tpu.memref_slice %arg4[%add3A_316, %multiple_of3A] : memref<3200x16384xf32, #tpu.memory_space<hbm>> -> memref<1x4096xf32, #tpu.memory_space<hbm>>
          %dma_wait3A_322 = tpu.memref_squeeze %dma_wait3A_321 : memref<1x4096xf32, #tpu.memory_space<hbm>> -> memref<4096xf32, #tpu.memory_space<hbm>>
          %dma_wait3A_323 = tpu.memref_slice %arg4[%add3A_316, %multiple_of3A] : memref<3200x16384xf32, #tpu.memory_space<hbm>> -> memref<1x4096xf32, #tpu.memory_space<hbm>>
          %dma_wait3A_324 = tpu.memref_squeeze %dma_wait3A_323 : memref<1x4096xf32, #tpu.memory_space<hbm>> -> memref<4096xf32, #tpu.memory_space<hbm>>
          tpu.wait_dma2 semaphore(%run_scoped3A : memref<!tpu.dma_semaphore, #tpu.memory_space<semaphore_mem>>) src(%arg20 : memref<4096xf32, #tpu.memory_space<vmem>>) dst(%dma_wait3A_324 : memref<4096xf32, #tpu.memory_space<hbm>>)
          tpu.yield
        }) : () -> ()
      } else {
      }
      %add3A_158 = arith.constant 64 : i32
      %add3A_159 = arith.addi %arg1, %add3A_158 : i32
      %add3A_160 = arith.constant 80 : i32
      %add3A_161 = arith.addi %arg1, %add3A_160 : i32
      %lt3A_162 = arith.constant 200 : i32
      %lt3A_163 = arith.cmpi slt, %add3A_161, %lt3A_162 : i32
      %convert_element_type3A_164 = arith.extui %lt3A_163 : i1 to i32
      %cond3A_165 = arith.constant 0 : i32
      %cond3A_166 = arith.cmpi ne, %convert_element_type3A_164, %cond3A_165 : i32
      scf.if %cond3A_166 {
        %dma_start3A_278 = arith.constant 0 : i32
        %dma_start3A_279 = tpu.memref_slice %arg5[%dma_start3A_278] : memref<1000000xf32, #tpu.memory_space<vmem_shared>> -> memref<1000000xf32, #tpu.memory_space<vmem_shared>>
        tpu.enqueue_indirect_dma source(%dma_start3A_279 : memref<1000000xf32, #tpu.memory_space<vmem_shared>>) target(%arg20 : memref<4096xf32, #tpu.memory_space<vmem>>) offsets(%arg11 : memref<4096xi32, #tpu.memory_space<vmem>>) semaphore(%arg22 : memref<!tpu.dma_semaphore, #tpu.memory_space<semaphore_mem>>)
      } else {
      }
      %lt3A_167 = arith.constant 200 : i32
      %lt3A_168 = arith.cmpi slt, %add3A_159, %lt3A_167 : i32
      %convert_element_type3A_169 = arith.extui %lt3A_168 : i1 to i32
      %cond3A_170 = arith.constant 0 : i32
      %cond3A_171 = arith.cmpi ne, %convert_element_type3A_169, %cond3A_170 : i32
      scf.if %cond3A_171 {
        %jit3A = arith.constant 4 : i32
        %div3A = arith.divsi %add3A_159, %jit3A : i32
        %sign3A = arith.constant 0 : i32
        %sign3A_278 = arith.cmpi sgt, %add3A_159, %sign3A : i32
        %sign3A_279 = arith.extui %sign3A_278 : i1 to i32
        %sign3A_280 = arith.constant 0 : i32
        %sign3A_281 = arith.cmpi slt, %add3A_159, %sign3A_280 : i32
        %sign3A_282 = arith.extui %sign3A_281 : i1 to i32
        %sign3A_283 = arith.subi %sign3A_279, %sign3A_282 : i32
        %sign3A_284 = arith.constant 0 : i32
        %sign3A_285 = arith.cmpi sgt, %jit3A, %sign3A_284 : i32
        %sign3A_286 = arith.extui %sign3A_285 : i1 to i32
        %sign3A_287 = arith.constant 0 : i32
        %sign3A_288 = arith.cmpi slt, %jit3A, %sign3A_287 : i32
        %sign3A_289 = arith.extui %sign3A_288 : i1 to i32
        %sign3A_290 = arith.subi %sign3A_286, %sign3A_289 : i32
        %ne3A = arith.cmpi ne, %sign3A_283, %sign3A_290 : i32
        %rem3A = arith.remsi %add3A_159, %jit3A : i32
        %ne3A_291 = arith.constant 0 : i32
        %ne3A_292 = arith.cmpi ne, %rem3A, %ne3A_291 : i32
        %and3A = arith.andi %ne3A, %ne3A_292 : i1
        %sub3A = arith.constant 1 : i32
        %sub3A_293 = arith.subi %div3A, %sub3A : i32
        %select_n3A = arith.select %and3A, %sub3A_293, %div3A : i32
        %jit3A_294 = arith.constant 4 : i32
        %eq3A_295 = arith.constant 0 : i32
        %eq3A_296 = arith.cmpi eq, %jit3A_294, %eq3A_295 : i32
        %jit3A_297 = arith.constant 1 : i32
        %select_n3A_298 = arith.select %eq3A_296, %jit3A_297, %jit3A_294 : i32
        %rem3A_299 = arith.remsi %add3A_159, %select_n3A_298 : i32
        %ne3A_300 = arith.constant 0 : i32
        %ne3A_301 = arith.cmpi ne, %rem3A_299, %ne3A_300 : i32
        %lt3A_302 = arith.constant 0 : i32
        %lt3A_303 = arith.cmpi slt, %rem3A_299, %lt3A_302 : i32
        %lt3A_304 = arith.constant 0 : i32
        %lt3A_305 = arith.cmpi slt, %select_n3A_298, %lt3A_304 : i32
        %ne3A_306 = arith.xori %lt3A_303, %lt3A_305 : i1
        %and3A_307 = arith.andi %ne3A_306, %ne3A_301 : i1
        %add3A_308 = arith.addi %rem3A_299, %select_n3A_298 : i32
        %select_n3A_309 = arith.select %and3A_307, %add3A_308, %rem3A_299 : i32
        %dma_wait3A = arith.constant 0 : i32
        %dma_wait3A_310 = tpu.memref_slice %arg5[%dma_wait3A] : memref<1000000xf32, #tpu.memory_space<vmem_shared>> -> memref<1000000xf32, #tpu.memory_space<vmem_shared>>
        tpu.wait_indirect_dma semaphore(%arg21 : memref<!tpu.dma_semaphore, #tpu.memory_space<semaphore_mem>>) src(%dma_wait3A_310 : memref<1000000xf32, #tpu.memory_space<vmem_shared>>) dst(%arg19 : memref<4096xf32, #tpu.memory_space<vmem>>)
        %mul3A_311 = arith.constant 4096 : i32
        %mul3A_312 = arith.muli %select_n3A_309, %mul3A_311 : i32
        %multiple_of3A = tpu.assume_multiple %mul3A_312, 4096 : i32
        %mul3A_313 = arith.constant 64 : i32
        %mul3A_314 = arith.muli %select_n3A, %mul3A_313 : i32
        %add3A_315 = arith.addi %mul3A_314, %mul3A_0 : i32
        %add3A_316 = arith.addi %add3A_315, %add3A_96 : i32
        "tpu.region"() ({
          %run_scoped3A = tpu.sem_alloc : memref<!tpu.dma_semaphore, #tpu.memory_space<semaphore_mem>>
          %dma_start3A_317 = tpu.memref_slice %arg4[%add3A_316, %multiple_of3A] : memref<3200x16384xf32, #tpu.memory_space<hbm>> -> memref<1x4096xf32, #tpu.memory_space<hbm>>
          %dma_start3A_318 = tpu.memref_squeeze %dma_start3A_317 : memref<1x4096xf32, #tpu.memory_space<hbm>> -> memref<4096xf32, #tpu.memory_space<hbm>>
          %dma_start3A_319 = tpu.memref_slice %arg4[%add3A_316, %multiple_of3A] : memref<3200x16384xf32, #tpu.memory_space<hbm>> -> memref<1x4096xf32, #tpu.memory_space<hbm>>
          %dma_start3A_320 = tpu.memref_squeeze %dma_start3A_319 : memref<1x4096xf32, #tpu.memory_space<hbm>> -> memref<4096xf32, #tpu.memory_space<hbm>>
          tpu.enqueue_dma source(%arg19 : memref<4096xf32, #tpu.memory_space<vmem>>) target(%dma_start3A_320 : memref<4096xf32, #tpu.memory_space<hbm>>) target_semaphore(%run_scoped3A : memref<!tpu.dma_semaphore, #tpu.memory_space<semaphore_mem>>)
          %dma_wait3A_321 = tpu.memref_slice %arg4[%add3A_316, %multiple_of3A] : memref<3200x16384xf32, #tpu.memory_space<hbm>> -> memref<1x4096xf32, #tpu.memory_space<hbm>>
          %dma_wait3A_322 = tpu.memref_squeeze %dma_wait3A_321 : memref<1x4096xf32, #tpu.memory_space<hbm>> -> memref<4096xf32, #tpu.memory_space<hbm>>
          %dma_wait3A_323 = tpu.memref_slice %arg4[%add3A_316, %multiple_of3A] : memref<3200x16384xf32, #tpu.memory_space<hbm>> -> memref<1x4096xf32, #tpu.memory_space<hbm>>
          %dma_wait3A_324 = tpu.memref_squeeze %dma_wait3A_323 : memref<1x4096xf32, #tpu.memory_space<hbm>> -> memref<4096xf32, #tpu.memory_space<hbm>>
          tpu.wait_dma2 semaphore(%run_scoped3A : memref<!tpu.dma_semaphore, #tpu.memory_space<semaphore_mem>>) src(%arg19 : memref<4096xf32, #tpu.memory_space<vmem>>) dst(%dma_wait3A_324 : memref<4096xf32, #tpu.memory_space<hbm>>)
          tpu.yield
        }) : () -> ()
      } else {
      }
      %add3A_172 = arith.constant 80 : i32
      %add3A_173 = arith.addi %arg1, %add3A_172 : i32
      %add3A_174 = arith.constant 96 : i32
      %add3A_175 = arith.addi %arg1, %add3A_174 : i32
      %lt3A_176 = arith.constant 200 : i32
      %lt3A_177 = arith.cmpi slt, %add3A_175, %lt3A_176 : i32
      %convert_element_type3A_178 = arith.extui %lt3A_177 : i1 to i32
      %cond3A_179 = arith.constant 0 : i32
      %cond3A_180 = arith.cmpi ne, %convert_element_type3A_178, %cond3A_179 : i32
      scf.if %cond3A_180 {
        %dma_start3A_278 = arith.constant 0 : i32
        %dma_start3A_279 = tpu.memref_slice %arg5[%dma_start3A_278] : memref<1000000xf32, #tpu.memory_space<vmem_shared>> -> memref<1000000xf32, #tpu.memory_space<vmem_shared>>
        tpu.enqueue_indirect_dma source(%dma_start3A_279 : memref<1000000xf32, #tpu.memory_space<vmem_shared>>) target(%arg19 : memref<4096xf32, #tpu.memory_space<vmem>>) offsets(%arg12 : memref<4096xi32, #tpu.memory_space<vmem>>) semaphore(%arg21 : memref<!tpu.dma_semaphore, #tpu.memory_space<semaphore_mem>>)
      } else {
      }
      %lt3A_181 = arith.constant 200 : i32
      %lt3A_182 = arith.cmpi slt, %add3A_173, %lt3A_181 : i32
      %convert_element_type3A_183 = arith.extui %lt3A_182 : i1 to i32
      %cond3A_184 = arith.constant 0 : i32
      %cond3A_185 = arith.cmpi ne, %convert_element_type3A_183, %cond3A_184 : i32
      scf.if %cond3A_185 {
        %jit3A = arith.constant 4 : i32
        %div3A = arith.divsi %add3A_173, %jit3A : i32
        %sign3A = arith.constant 0 : i32
        %sign3A_278 = arith.cmpi sgt, %add3A_173, %sign3A : i32
        %sign3A_279 = arith.extui %sign3A_278 : i1 to i32
        %sign3A_280 = arith.constant 0 : i32
        %sign3A_281 = arith.cmpi slt, %add3A_173, %sign3A_280 : i32
        %sign3A_282 = arith.extui %sign3A_281 : i1 to i32
        %sign3A_283 = arith.subi %sign3A_279, %sign3A_282 : i32
        %sign3A_284 = arith.constant 0 : i32
        %sign3A_285 = arith.cmpi sgt, %jit3A, %sign3A_284 : i32
        %sign3A_286 = arith.extui %sign3A_285 : i1 to i32
        %sign3A_287 = arith.constant 0 : i32
        %sign3A_288 = arith.cmpi slt, %jit3A, %sign3A_287 : i32
        %sign3A_289 = arith.extui %sign3A_288 : i1 to i32
        %sign3A_290 = arith.subi %sign3A_286, %sign3A_289 : i32
        %ne3A = arith.cmpi ne, %sign3A_283, %sign3A_290 : i32
        %rem3A = arith.remsi %add3A_173, %jit3A : i32
        %ne3A_291 = arith.constant 0 : i32
        %ne3A_292 = arith.cmpi ne, %rem3A, %ne3A_291 : i32
        %and3A = arith.andi %ne3A, %ne3A_292 : i1
        %sub3A = arith.constant 1 : i32
        %sub3A_293 = arith.subi %div3A, %sub3A : i32
        %select_n3A = arith.select %and3A, %sub3A_293, %div3A : i32
        %jit3A_294 = arith.constant 4 : i32
        %eq3A_295 = arith.constant 0 : i32
        %eq3A_296 = arith.cmpi eq, %jit3A_294, %eq3A_295 : i32
        %jit3A_297 = arith.constant 1 : i32
        %select_n3A_298 = arith.select %eq3A_296, %jit3A_297, %jit3A_294 : i32
        %rem3A_299 = arith.remsi %add3A_173, %select_n3A_298 : i32
        %ne3A_300 = arith.constant 0 : i32
        %ne3A_301 = arith.cmpi ne, %rem3A_299, %ne3A_300 : i32
        %lt3A_302 = arith.constant 0 : i32
        %lt3A_303 = arith.cmpi slt, %rem3A_299, %lt3A_302 : i32
        %lt3A_304 = arith.constant 0 : i32
        %lt3A_305 = arith.cmpi slt, %select_n3A_298, %lt3A_304 : i32
        %ne3A_306 = arith.xori %lt3A_303, %lt3A_305 : i1
        %and3A_307 = arith.andi %ne3A_306, %ne3A_301 : i1
        %add3A_308 = arith.addi %rem3A_299, %select_n3A_298 : i32
        %select_n3A_309 = arith.select %and3A_307, %add3A_308, %rem3A_299 : i32
        %dma_wait3A = arith.constant 0 : i32
        %dma_wait3A_310 = tpu.memref_slice %arg5[%dma_wait3A] : memref<1000000xf32, #tpu.memory_space<vmem_shared>> -> memref<1000000xf32, #tpu.memory_space<vmem_shared>>
        tpu.wait_indirect_dma semaphore(%arg22 : memref<!tpu.dma_semaphore, #tpu.memory_space<semaphore_mem>>) src(%dma_wait3A_310 : memref<1000000xf32, #tpu.memory_space<vmem_shared>>) dst(%arg20 : memref<4096xf32, #tpu.memory_space<vmem>>)
        %mul3A_311 = arith.constant 4096 : i32
        %mul3A_312 = arith.muli %select_n3A_309, %mul3A_311 : i32
        %multiple_of3A = tpu.assume_multiple %mul3A_312, 4096 : i32
        %mul3A_313 = arith.constant 64 : i32
        %mul3A_314 = arith.muli %select_n3A, %mul3A_313 : i32
        %add3A_315 = arith.addi %mul3A_314, %mul3A_0 : i32
        %add3A_316 = arith.addi %add3A_315, %add3A_96 : i32
        "tpu.region"() ({
          %run_scoped3A = tpu.sem_alloc : memref<!tpu.dma_semaphore, #tpu.memory_space<semaphore_mem>>
          %dma_start3A_317 = tpu.memref_slice %arg4[%add3A_316, %multiple_of3A] : memref<3200x16384xf32, #tpu.memory_space<hbm>> -> memref<1x4096xf32, #tpu.memory_space<hbm>>
          %dma_start3A_318 = tpu.memref_squeeze %dma_start3A_317 : memref<1x4096xf32, #tpu.memory_space<hbm>> -> memref<4096xf32, #tpu.memory_space<hbm>>
          %dma_start3A_319 = tpu.memref_slice %arg4[%add3A_316, %multiple_of3A] : memref<3200x16384xf32, #tpu.memory_space<hbm>> -> memref<1x4096xf32, #tpu.memory_space<hbm>>
          %dma_start3A_320 = tpu.memref_squeeze %dma_start3A_319 : memref<1x4096xf32, #tpu.memory_space<hbm>> -> memref<4096xf32, #tpu.memory_space<hbm>>
          tpu.enqueue_dma source(%arg20 : memref<4096xf32, #tpu.memory_space<vmem>>) target(%dma_start3A_320 : memref<4096xf32, #tpu.memory_space<hbm>>) target_semaphore(%run_scoped3A : memref<!tpu.dma_semaphore, #tpu.memory_space<semaphore_mem>>)
          %dma_wait3A_321 = tpu.memref_slice %arg4[%add3A_316, %multiple_of3A] : memref<3200x16384xf32, #tpu.memory_space<hbm>> -> memref<1x4096xf32, #tpu.memory_space<hbm>>
          %dma_wait3A_322 = tpu.memref_squeeze %dma_wait3A_321 : memref<1x4096xf32, #tpu.memory_space<hbm>> -> memref<4096xf32, #tpu.memory_space<hbm>>
          %dma_wait3A_323 = tpu.memref_slice %arg4[%add3A_316, %multiple_of3A] : memref<3200x16384xf32, #tpu.memory_space<hbm>> -> memref<1x4096xf32, #tpu.memory_space<hbm>>
          %dma_wait3A_324 = tpu.memref_squeeze %dma_wait3A_323 : memref<1x4096xf32, #tpu.memory_space<hbm>> -> memref<4096xf32, #tpu.memory_space<hbm>>
          tpu.wait_dma2 semaphore(%run_scoped3A : memref<!tpu.dma_semaphore, #tpu.memory_space<semaphore_mem>>) src(%arg20 : memref<4096xf32, #tpu.memory_space<vmem>>) dst(%dma_wait3A_324 : memref<4096xf32, #tpu.memory_space<hbm>>)
          tpu.yield
        }) : () -> ()
      } else {
      }
      %add3A_186 = arith.constant 96 : i32
      %add3A_187 = arith.addi %arg1, %add3A_186 : i32
      %add3A_188 = arith.constant 112 : i32
      %add3A_189 = arith.addi %arg1, %add3A_188 : i32
      %lt3A_190 = arith.constant 200 : i32
      %lt3A_191 = arith.cmpi slt, %add3A_189, %lt3A_190 : i32
      %convert_element_type3A_192 = arith.extui %lt3A_191 : i1 to i32
      %cond3A_193 = arith.constant 0 : i32
      %cond3A_194 = arith.cmpi ne, %convert_element_type3A_192, %cond3A_193 : i32
      scf.if %cond3A_194 {
        %dma_start3A_278 = arith.constant 0 : i32
        %dma_start3A_279 = tpu.memref_slice %arg5[%dma_start3A_278] : memref<1000000xf32, #tpu.memory_space<vmem_shared>> -> memref<1000000xf32, #tpu.memory_space<vmem_shared>>
        tpu.enqueue_indirect_dma source(%dma_start3A_279 : memref<1000000xf32, #tpu.memory_space<vmem_shared>>) target(%arg20 : memref<4096xf32, #tpu.memory_space<vmem>>) offsets(%arg13 : memref<4096xi32, #tpu.memory_space<vmem>>) semaphore(%arg22 : memref<!tpu.dma_semaphore, #tpu.memory_space<semaphore_mem>>)
      } else {
      }
      %lt3A_195 = arith.constant 200 : i32
      %lt3A_196 = arith.cmpi slt, %add3A_187, %lt3A_195 : i32
      %convert_element_type3A_197 = arith.extui %lt3A_196 : i1 to i32
      %cond3A_198 = arith.constant 0 : i32
      %cond3A_199 = arith.cmpi ne, %convert_element_type3A_197, %cond3A_198 : i32
      scf.if %cond3A_199 {
        %jit3A = arith.constant 4 : i32
        %div3A = arith.divsi %add3A_187, %jit3A : i32
        %sign3A = arith.constant 0 : i32
        %sign3A_278 = arith.cmpi sgt, %add3A_187, %sign3A : i32
        %sign3A_279 = arith.extui %sign3A_278 : i1 to i32
        %sign3A_280 = arith.constant 0 : i32
        %sign3A_281 = arith.cmpi slt, %add3A_187, %sign3A_280 : i32
        %sign3A_282 = arith.extui %sign3A_281 : i1 to i32
        %sign3A_283 = arith.subi %sign3A_279, %sign3A_282 : i32
        %sign3A_284 = arith.constant 0 : i32
        %sign3A_285 = arith.cmpi sgt, %jit3A, %sign3A_284 : i32
        %sign3A_286 = arith.extui %sign3A_285 : i1 to i32
        %sign3A_287 = arith.constant 0 : i32
        %sign3A_288 = arith.cmpi slt, %jit3A, %sign3A_287 : i32
        %sign3A_289 = arith.extui %sign3A_288 : i1 to i32
        %sign3A_290 = arith.subi %sign3A_286, %sign3A_289 : i32
        %ne3A = arith.cmpi ne, %sign3A_283, %sign3A_290 : i32
        %rem3A = arith.remsi %add3A_187, %jit3A : i32
        %ne3A_291 = arith.constant 0 : i32
        %ne3A_292 = arith.cmpi ne, %rem3A, %ne3A_291 : i32
        %and3A = arith.andi %ne3A, %ne3A_292 : i1
        %sub3A = arith.constant 1 : i32
        %sub3A_293 = arith.subi %div3A, %sub3A : i32
        %select_n3A = arith.select %and3A, %sub3A_293, %div3A : i32
        %jit3A_294 = arith.constant 4 : i32
        %eq3A_295 = arith.constant 0 : i32
        %eq3A_296 = arith.cmpi eq, %jit3A_294, %eq3A_295 : i32
        %jit3A_297 = arith.constant 1 : i32
        %select_n3A_298 = arith.select %eq3A_296, %jit3A_297, %jit3A_294 : i32
        %rem3A_299 = arith.remsi %add3A_187, %select_n3A_298 : i32
        %ne3A_300 = arith.constant 0 : i32
        %ne3A_301 = arith.cmpi ne, %rem3A_299, %ne3A_300 : i32
        %lt3A_302 = arith.constant 0 : i32
        %lt3A_303 = arith.cmpi slt, %rem3A_299, %lt3A_302 : i32
        %lt3A_304 = arith.constant 0 : i32
        %lt3A_305 = arith.cmpi slt, %select_n3A_298, %lt3A_304 : i32
        %ne3A_306 = arith.xori %lt3A_303, %lt3A_305 : i1
        %and3A_307 = arith.andi %ne3A_306, %ne3A_301 : i1
        %add3A_308 = arith.addi %rem3A_299, %select_n3A_298 : i32
        %select_n3A_309 = arith.select %and3A_307, %add3A_308, %rem3A_299 : i32
        %dma_wait3A = arith.constant 0 : i32
        %dma_wait3A_310 = tpu.memref_slice %arg5[%dma_wait3A] : memref<1000000xf32, #tpu.memory_space<vmem_shared>> -> memref<1000000xf32, #tpu.memory_space<vmem_shared>>
        tpu.wait_indirect_dma semaphore(%arg21 : memref<!tpu.dma_semaphore, #tpu.memory_space<semaphore_mem>>) src(%dma_wait3A_310 : memref<1000000xf32, #tpu.memory_space<vmem_shared>>) dst(%arg19 : memref<4096xf32, #tpu.memory_space<vmem>>)
        %mul3A_311 = arith.constant 4096 : i32
        %mul3A_312 = arith.muli %select_n3A_309, %mul3A_311 : i32
        %multiple_of3A = tpu.assume_multiple %mul3A_312, 4096 : i32
        %mul3A_313 = arith.constant 64 : i32
        %mul3A_314 = arith.muli %select_n3A, %mul3A_313 : i32
        %add3A_315 = arith.addi %mul3A_314, %mul3A_0 : i32
        %add3A_316 = arith.addi %add3A_315, %add3A_96 : i32
        "tpu.region"() ({
          %run_scoped3A = tpu.sem_alloc : memref<!tpu.dma_semaphore, #tpu.memory_space<semaphore_mem>>
          %dma_start3A_317 = tpu.memref_slice %arg4[%add3A_316, %multiple_of3A] : memref<3200x16384xf32, #tpu.memory_space<hbm>> -> memref<1x4096xf32, #tpu.memory_space<hbm>>
          %dma_start3A_318 = tpu.memref_squeeze %dma_start3A_317 : memref<1x4096xf32, #tpu.memory_space<hbm>> -> memref<4096xf32, #tpu.memory_space<hbm>>
          %dma_start3A_319 = tpu.memref_slice %arg4[%add3A_316, %multiple_of3A] : memref<3200x16384xf32, #tpu.memory_space<hbm>> -> memref<1x4096xf32, #tpu.memory_space<hbm>>
          %dma_start3A_320 = tpu.memref_squeeze %dma_start3A_319 : memref<1x4096xf32, #tpu.memory_space<hbm>> -> memref<4096xf32, #tpu.memory_space<hbm>>
          tpu.enqueue_dma source(%arg19 : memref<4096xf32, #tpu.memory_space<vmem>>) target(%dma_start3A_320 : memref<4096xf32, #tpu.memory_space<hbm>>) target_semaphore(%run_scoped3A : memref<!tpu.dma_semaphore, #tpu.memory_space<semaphore_mem>>)
          %dma_wait3A_321 = tpu.memref_slice %arg4[%add3A_316, %multiple_of3A] : memref<3200x16384xf32, #tpu.memory_space<hbm>> -> memref<1x4096xf32, #tpu.memory_space<hbm>>
          %dma_wait3A_322 = tpu.memref_squeeze %dma_wait3A_321 : memref<1x4096xf32, #tpu.memory_space<hbm>> -> memref<4096xf32, #tpu.memory_space<hbm>>
          %dma_wait3A_323 = tpu.memref_slice %arg4[%add3A_316, %multiple_of3A] : memref<3200x16384xf32, #tpu.memory_space<hbm>> -> memref<1x4096xf32, #tpu.memory_space<hbm>>
          %dma_wait3A_324 = tpu.memref_squeeze %dma_wait3A_323 : memref<1x4096xf32, #tpu.memory_space<hbm>> -> memref<4096xf32, #tpu.memory_space<hbm>>
          tpu.wait_dma2 semaphore(%run_scoped3A : memref<!tpu.dma_semaphore, #tpu.memory_space<semaphore_mem>>) src(%arg19 : memref<4096xf32, #tpu.memory_space<vmem>>) dst(%dma_wait3A_324 : memref<4096xf32, #tpu.memory_space<hbm>>)
          tpu.yield
        }) : () -> ()
      } else {
      }
      %add3A_200 = arith.constant 112 : i32
      %add3A_201 = arith.addi %arg1, %add3A_200 : i32
      %add3A_202 = arith.constant 128 : i32
      %add3A_203 = arith.addi %arg1, %add3A_202 : i32
      %lt3A_204 = arith.constant 200 : i32
      %lt3A_205 = arith.cmpi slt, %add3A_203, %lt3A_204 : i32
      %convert_element_type3A_206 = arith.extui %lt3A_205 : i1 to i32
      %cond3A_207 = arith.constant 0 : i32
      %cond3A_208 = arith.cmpi ne, %convert_element_type3A_206, %cond3A_207 : i32
      scf.if %cond3A_208 {
        %dma_start3A_278 = arith.constant 0 : i32
        %dma_start3A_279 = tpu.memref_slice %arg5[%dma_start3A_278] : memref<1000000xf32, #tpu.memory_space<vmem_shared>> -> memref<1000000xf32, #tpu.memory_space<vmem_shared>>
        tpu.enqueue_indirect_dma source(%dma_start3A_279 : memref<1000000xf32, #tpu.memory_space<vmem_shared>>) target(%arg19 : memref<4096xf32, #tpu.memory_space<vmem>>) offsets(%arg14 : memref<4096xi32, #tpu.memory_space<vmem>>) semaphore(%arg21 : memref<!tpu.dma_semaphore, #tpu.memory_space<semaphore_mem>>)
      } else {
      }
      %lt3A_209 = arith.constant 200 : i32
      %lt3A_210 = arith.cmpi slt, %add3A_201, %lt3A_209 : i32
      %convert_element_type3A_211 = arith.extui %lt3A_210 : i1 to i32
      %cond3A_212 = arith.constant 0 : i32
      %cond3A_213 = arith.cmpi ne, %convert_element_type3A_211, %cond3A_212 : i32
      scf.if %cond3A_213 {
        %jit3A = arith.constant 4 : i32
        %div3A = arith.divsi %add3A_201, %jit3A : i32
        %sign3A = arith.constant 0 : i32
        %sign3A_278 = arith.cmpi sgt, %add3A_201, %sign3A : i32
        %sign3A_279 = arith.extui %sign3A_278 : i1 to i32
        %sign3A_280 = arith.constant 0 : i32
        %sign3A_281 = arith.cmpi slt, %add3A_201, %sign3A_280 : i32
        %sign3A_282 = arith.extui %sign3A_281 : i1 to i32
        %sign3A_283 = arith.subi %sign3A_279, %sign3A_282 : i32
        %sign3A_284 = arith.constant 0 : i32
        %sign3A_285 = arith.cmpi sgt, %jit3A, %sign3A_284 : i32
        %sign3A_286 = arith.extui %sign3A_285 : i1 to i32
        %sign3A_287 = arith.constant 0 : i32
        %sign3A_288 = arith.cmpi slt, %jit3A, %sign3A_287 : i32
        %sign3A_289 = arith.extui %sign3A_288 : i1 to i32
        %sign3A_290 = arith.subi %sign3A_286, %sign3A_289 : i32
        %ne3A = arith.cmpi ne, %sign3A_283, %sign3A_290 : i32
        %rem3A = arith.remsi %add3A_201, %jit3A : i32
        %ne3A_291 = arith.constant 0 : i32
        %ne3A_292 = arith.cmpi ne, %rem3A, %ne3A_291 : i32
        %and3A = arith.andi %ne3A, %ne3A_292 : i1
        %sub3A = arith.constant 1 : i32
        %sub3A_293 = arith.subi %div3A, %sub3A : i32
        %select_n3A = arith.select %and3A, %sub3A_293, %div3A : i32
        %jit3A_294 = arith.constant 4 : i32
        %eq3A_295 = arith.constant 0 : i32
        %eq3A_296 = arith.cmpi eq, %jit3A_294, %eq3A_295 : i32
        %jit3A_297 = arith.constant 1 : i32
        %select_n3A_298 = arith.select %eq3A_296, %jit3A_297, %jit3A_294 : i32
        %rem3A_299 = arith.remsi %add3A_201, %select_n3A_298 : i32
        %ne3A_300 = arith.constant 0 : i32
        %ne3A_301 = arith.cmpi ne, %rem3A_299, %ne3A_300 : i32
        %lt3A_302 = arith.constant 0 : i32
        %lt3A_303 = arith.cmpi slt, %rem3A_299, %lt3A_302 : i32
        %lt3A_304 = arith.constant 0 : i32
        %lt3A_305 = arith.cmpi slt, %select_n3A_298, %lt3A_304 : i32
        %ne3A_306 = arith.xori %lt3A_303, %lt3A_305 : i1
        %and3A_307 = arith.andi %ne3A_306, %ne3A_301 : i1
        %add3A_308 = arith.addi %rem3A_299, %select_n3A_298 : i32
        %select_n3A_309 = arith.select %and3A_307, %add3A_308, %rem3A_299 : i32
        %dma_wait3A = arith.constant 0 : i32
        %dma_wait3A_310 = tpu.memref_slice %arg5[%dma_wait3A] : memref<1000000xf32, #tpu.memory_space<vmem_shared>> -> memref<1000000xf32, #tpu.memory_space<vmem_shared>>
        tpu.wait_indirect_dma semaphore(%arg22 : memref<!tpu.dma_semaphore, #tpu.memory_space<semaphore_mem>>) src(%dma_wait3A_310 : memref<1000000xf32, #tpu.memory_space<vmem_shared>>) dst(%arg20 : memref<4096xf32, #tpu.memory_space<vmem>>)
        %mul3A_311 = arith.constant 4096 : i32
        %mul3A_312 = arith.muli %select_n3A_309, %mul3A_311 : i32
        %multiple_of3A = tpu.assume_multiple %mul3A_312, 4096 : i32
        %mul3A_313 = arith.constant 64 : i32
        %mul3A_314 = arith.muli %select_n3A, %mul3A_313 : i32
        %add3A_315 = arith.addi %mul3A_314, %mul3A_0 : i32
        %add3A_316 = arith.addi %add3A_315, %add3A_96 : i32
        "tpu.region"() ({
          %run_scoped3A = tpu.sem_alloc : memref<!tpu.dma_semaphore, #tpu.memory_space<semaphore_mem>>
          %dma_start3A_317 = tpu.memref_slice %arg4[%add3A_316, %multiple_of3A] : memref<3200x16384xf32, #tpu.memory_space<hbm>> -> memref<1x4096xf32, #tpu.memory_space<hbm>>
          %dma_start3A_318 = tpu.memref_squeeze %dma_start3A_317 : memref<1x4096xf32, #tpu.memory_space<hbm>> -> memref<4096xf32, #tpu.memory_space<hbm>>
          %dma_start3A_319 = tpu.memref_slice %arg4[%add3A_316, %multiple_of3A] : memref<3200x16384xf32, #tpu.memory_space<hbm>> -> memref<1x4096xf32, #tpu.memory_space<hbm>>
          %dma_start3A_320 = tpu.memref_squeeze %dma_start3A_319 : memref<1x4096xf32, #tpu.memory_space<hbm>> -> memref<4096xf32, #tpu.memory_space<hbm>>
          tpu.enqueue_dma source(%arg20 : memref<4096xf32, #tpu.memory_space<vmem>>) target(%dma_start3A_320 : memref<4096xf32, #tpu.memory_space<hbm>>) target_semaphore(%run_scoped3A : memref<!tpu.dma_semaphore, #tpu.memory_space<semaphore_mem>>)
          %dma_wait3A_321 = tpu.memref_slice %arg4[%add3A_316, %multiple_of3A] : memref<3200x16384xf32, #tpu.memory_space<hbm>> -> memref<1x4096xf32, #tpu.memory_space<hbm>>
          %dma_wait3A_322 = tpu.memref_squeeze %dma_wait3A_321 : memref<1x4096xf32, #tpu.memory_space<hbm>> -> memref<4096xf32, #tpu.memory_space<hbm>>
          %dma_wait3A_323 = tpu.memref_slice %arg4[%add3A_316, %multiple_of3A] : memref<3200x16384xf32, #tpu.memory_space<hbm>> -> memref<1x4096xf32, #tpu.memory_space<hbm>>
          %dma_wait3A_324 = tpu.memref_squeeze %dma_wait3A_323 : memref<1x4096xf32, #tpu.memory_space<hbm>> -> memref<4096xf32, #tpu.memory_space<hbm>>
          tpu.wait_dma2 semaphore(%run_scoped3A : memref<!tpu.dma_semaphore, #tpu.memory_space<semaphore_mem>>) src(%arg20 : memref<4096xf32, #tpu.memory_space<vmem>>) dst(%dma_wait3A_324 : memref<4096xf32, #tpu.memory_space<hbm>>)
          tpu.yield
        }) : () -> ()
      } else {
      }
      %add3A_214 = arith.constant 128 : i32
      %add3A_215 = arith.addi %arg1, %add3A_214 : i32
      %add3A_216 = arith.constant 144 : i32
      %add3A_217 = arith.addi %arg1, %add3A_216 : i32
      %lt3A_218 = arith.constant 200 : i32
      %lt3A_219 = arith.cmpi slt, %add3A_217, %lt3A_218 : i32
      %convert_element_type3A_220 = arith.extui %lt3A_219 : i1 to i32
      %cond3A_221 = arith.constant 0 : i32
      %cond3A_222 = arith.cmpi ne, %convert_element_type3A_220, %cond3A_221 : i32
      scf.if %cond3A_222 {
        %dma_start3A_278 = arith.constant 0 : i32
        %dma_start3A_279 = tpu.memref_slice %arg5[%dma_start3A_278] : memref<1000000xf32, #tpu.memory_space<vmem_shared>> -> memref<1000000xf32, #tpu.memory_space<vmem_shared>>
        tpu.enqueue_indirect_dma source(%dma_start3A_279 : memref<1000000xf32, #tpu.memory_space<vmem_shared>>) target(%arg20 : memref<4096xf32, #tpu.memory_space<vmem>>) offsets(%arg15 : memref<4096xi32, #tpu.memory_space<vmem>>) semaphore(%arg22 : memref<!tpu.dma_semaphore, #tpu.memory_space<semaphore_mem>>)
      } else {
      }
      %lt3A_223 = arith.constant 200 : i32
      %lt3A_224 = arith.cmpi slt, %add3A_215, %lt3A_223 : i32
      %convert_element_type3A_225 = arith.extui %lt3A_224 : i1 to i32
      %cond3A_226 = arith.constant 0 : i32
      %cond3A_227 = arith.cmpi ne, %convert_element_type3A_225, %cond3A_226 : i32
      scf.if %cond3A_227 {
        %jit3A = arith.constant 4 : i32
        %div3A = arith.divsi %add3A_215, %jit3A : i32
        %sign3A = arith.constant 0 : i32
        %sign3A_278 = arith.cmpi sgt, %add3A_215, %sign3A : i32
        %sign3A_279 = arith.extui %sign3A_278 : i1 to i32
        %sign3A_280 = arith.constant 0 : i32
        %sign3A_281 = arith.cmpi slt, %add3A_215, %sign3A_280 : i32
        %sign3A_282 = arith.extui %sign3A_281 : i1 to i32
        %sign3A_283 = arith.subi %sign3A_279, %sign3A_282 : i32
        %sign3A_284 = arith.constant 0 : i32
        %sign3A_285 = arith.cmpi sgt, %jit3A, %sign3A_284 : i32
        %sign3A_286 = arith.extui %sign3A_285 : i1 to i32
        %sign3A_287 = arith.constant 0 : i32
        %sign3A_288 = arith.cmpi slt, %jit3A, %sign3A_287 : i32
        %sign3A_289 = arith.extui %sign3A_288 : i1 to i32
        %sign3A_290 = arith.subi %sign3A_286, %sign3A_289 : i32
        %ne3A = arith.cmpi ne, %sign3A_283, %sign3A_290 : i32
        %rem3A = arith.remsi %add3A_215, %jit3A : i32
        %ne3A_291 = arith.constant 0 : i32
        %ne3A_292 = arith.cmpi ne, %rem3A, %ne3A_291 : i32
        %and3A = arith.andi %ne3A, %ne3A_292 : i1
        %sub3A = arith.constant 1 : i32
        %sub3A_293 = arith.subi %div3A, %sub3A : i32
        %select_n3A = arith.select %and3A, %sub3A_293, %div3A : i32
        %jit3A_294 = arith.constant 4 : i32
        %eq3A_295 = arith.constant 0 : i32
        %eq3A_296 = arith.cmpi eq, %jit3A_294, %eq3A_295 : i32
        %jit3A_297 = arith.constant 1 : i32
        %select_n3A_298 = arith.select %eq3A_296, %jit3A_297, %jit3A_294 : i32
        %rem3A_299 = arith.remsi %add3A_215, %select_n3A_298 : i32
        %ne3A_300 = arith.constant 0 : i32
        %ne3A_301 = arith.cmpi ne, %rem3A_299, %ne3A_300 : i32
        %lt3A_302 = arith.constant 0 : i32
        %lt3A_303 = arith.cmpi slt, %rem3A_299, %lt3A_302 : i32
        %lt3A_304 = arith.constant 0 : i32
        %lt3A_305 = arith.cmpi slt, %select_n3A_298, %lt3A_304 : i32
        %ne3A_306 = arith.xori %lt3A_303, %lt3A_305 : i1
        %and3A_307 = arith.andi %ne3A_306, %ne3A_301 : i1
        %add3A_308 = arith.addi %rem3A_299, %select_n3A_298 : i32
        %select_n3A_309 = arith.select %and3A_307, %add3A_308, %rem3A_299 : i32
        %dma_wait3A = arith.constant 0 : i32
        %dma_wait3A_310 = tpu.memref_slice %arg5[%dma_wait3A] : memref<1000000xf32, #tpu.memory_space<vmem_shared>> -> memref<1000000xf32, #tpu.memory_space<vmem_shared>>
        tpu.wait_indirect_dma semaphore(%arg21 : memref<!tpu.dma_semaphore, #tpu.memory_space<semaphore_mem>>) src(%dma_wait3A_310 : memref<1000000xf32, #tpu.memory_space<vmem_shared>>) dst(%arg19 : memref<4096xf32, #tpu.memory_space<vmem>>)
        %mul3A_311 = arith.constant 4096 : i32
        %mul3A_312 = arith.muli %select_n3A_309, %mul3A_311 : i32
        %multiple_of3A = tpu.assume_multiple %mul3A_312, 4096 : i32
        %mul3A_313 = arith.constant 64 : i32
        %mul3A_314 = arith.muli %select_n3A, %mul3A_313 : i32
        %add3A_315 = arith.addi %mul3A_314, %mul3A_0 : i32
        %add3A_316 = arith.addi %add3A_315, %add3A_96 : i32
        "tpu.region"() ({
          %run_scoped3A = tpu.sem_alloc : memref<!tpu.dma_semaphore, #tpu.memory_space<semaphore_mem>>
          %dma_start3A_317 = tpu.memref_slice %arg4[%add3A_316, %multiple_of3A] : memref<3200x16384xf32, #tpu.memory_space<hbm>> -> memref<1x4096xf32, #tpu.memory_space<hbm>>
          %dma_start3A_318 = tpu.memref_squeeze %dma_start3A_317 : memref<1x4096xf32, #tpu.memory_space<hbm>> -> memref<4096xf32, #tpu.memory_space<hbm>>
          %dma_start3A_319 = tpu.memref_slice %arg4[%add3A_316, %multiple_of3A] : memref<3200x16384xf32, #tpu.memory_space<hbm>> -> memref<1x4096xf32, #tpu.memory_space<hbm>>
          %dma_start3A_320 = tpu.memref_squeeze %dma_start3A_319 : memref<1x4096xf32, #tpu.memory_space<hbm>> -> memref<4096xf32, #tpu.memory_space<hbm>>
          tpu.enqueue_dma source(%arg19 : memref<4096xf32, #tpu.memory_space<vmem>>) target(%dma_start3A_320 : memref<4096xf32, #tpu.memory_space<hbm>>) target_semaphore(%run_scoped3A : memref<!tpu.dma_semaphore, #tpu.memory_space<semaphore_mem>>)
          %dma_wait3A_321 = tpu.memref_slice %arg4[%add3A_316, %multiple_of3A] : memref<3200x16384xf32, #tpu.memory_space<hbm>> -> memref<1x4096xf32, #tpu.memory_space<hbm>>
          %dma_wait3A_322 = tpu.memref_squeeze %dma_wait3A_321 : memref<1x4096xf32, #tpu.memory_space<hbm>> -> memref<4096xf32, #tpu.memory_space<hbm>>
          %dma_wait3A_323 = tpu.memref_slice %arg4[%add3A_316, %multiple_of3A] : memref<3200x16384xf32, #tpu.memory_space<hbm>> -> memref<1x4096xf32, #tpu.memory_space<hbm>>
          %dma_wait3A_324 = tpu.memref_squeeze %dma_wait3A_323 : memref<1x4096xf32, #tpu.memory_space<hbm>> -> memref<4096xf32, #tpu.memory_space<hbm>>
          tpu.wait_dma2 semaphore(%run_scoped3A : memref<!tpu.dma_semaphore, #tpu.memory_space<semaphore_mem>>) src(%arg19 : memref<4096xf32, #tpu.memory_space<vmem>>) dst(%dma_wait3A_324 : memref<4096xf32, #tpu.memory_space<hbm>>)
          tpu.yield
        }) : () -> ()
      } else {
      }
      %add3A_228 = arith.constant 144 : i32
      %add3A_229 = arith.addi %arg1, %add3A_228 : i32
      %add3A_230 = arith.constant 160 : i32
      %add3A_231 = arith.addi %arg1, %add3A_230 : i32
      %lt3A_232 = arith.constant 200 : i32
      %lt3A_233 = arith.cmpi slt, %add3A_231, %lt3A_232 : i32
      %convert_element_type3A_234 = arith.extui %lt3A_233 : i1 to i32
      %cond3A_235 = arith.constant 0 : i32
      %cond3A_236 = arith.cmpi ne, %convert_element_type3A_234, %cond3A_235 : i32
      scf.if %cond3A_236 {
        %dma_start3A_278 = arith.constant 0 : i32
        %dma_start3A_279 = tpu.memref_slice %arg5[%dma_start3A_278] : memref<1000000xf32, #tpu.memory_space<vmem_shared>> -> memref<1000000xf32, #tpu.memory_space<vmem_shared>>
        tpu.enqueue_indirect_dma source(%dma_start3A_279 : memref<1000000xf32, #tpu.memory_space<vmem_shared>>) target(%arg19 : memref<4096xf32, #tpu.memory_space<vmem>>) offsets(%arg16 : memref<4096xi32, #tpu.memory_space<vmem>>) semaphore(%arg21 : memref<!tpu.dma_semaphore, #tpu.memory_space<semaphore_mem>>)
      } else {
      }
      %lt3A_237 = arith.constant 200 : i32
      %lt3A_238 = arith.cmpi slt, %add3A_229, %lt3A_237 : i32
      %convert_element_type3A_239 = arith.extui %lt3A_238 : i1 to i32
      %cond3A_240 = arith.constant 0 : i32
      %cond3A_241 = arith.cmpi ne, %convert_element_type3A_239, %cond3A_240 : i32
      scf.if %cond3A_241 {
        %jit3A = arith.constant 4 : i32
        %div3A = arith.divsi %add3A_229, %jit3A : i32
        %sign3A = arith.constant 0 : i32
        %sign3A_278 = arith.cmpi sgt, %add3A_229, %sign3A : i32
        %sign3A_279 = arith.extui %sign3A_278 : i1 to i32
        %sign3A_280 = arith.constant 0 : i32
        %sign3A_281 = arith.cmpi slt, %add3A_229, %sign3A_280 : i32
        %sign3A_282 = arith.extui %sign3A_281 : i1 to i32
        %sign3A_283 = arith.subi %sign3A_279, %sign3A_282 : i32
        %sign3A_284 = arith.constant 0 : i32
        %sign3A_285 = arith.cmpi sgt, %jit3A, %sign3A_284 : i32
        %sign3A_286 = arith.extui %sign3A_285 : i1 to i32
        %sign3A_287 = arith.constant 0 : i32
        %sign3A_288 = arith.cmpi slt, %jit3A, %sign3A_287 : i32
        %sign3A_289 = arith.extui %sign3A_288 : i1 to i32
        %sign3A_290 = arith.subi %sign3A_286, %sign3A_289 : i32
        %ne3A = arith.cmpi ne, %sign3A_283, %sign3A_290 : i32
        %rem3A = arith.remsi %add3A_229, %jit3A : i32
        %ne3A_291 = arith.constant 0 : i32
        %ne3A_292 = arith.cmpi ne, %rem3A, %ne3A_291 : i32
        %and3A = arith.andi %ne3A, %ne3A_292 : i1
        %sub3A = arith.constant 1 : i32
        %sub3A_293 = arith.subi %div3A, %sub3A : i32
        %select_n3A = arith.select %and3A, %sub3A_293, %div3A : i32
        %jit3A_294 = arith.constant 4 : i32
        %eq3A_295 = arith.constant 0 : i32
        %eq3A_296 = arith.cmpi eq, %jit3A_294, %eq3A_295 : i32
        %jit3A_297 = arith.constant 1 : i32
        %select_n3A_298 = arith.select %eq3A_296, %jit3A_297, %jit3A_294 : i32
        %rem3A_299 = arith.remsi %add3A_229, %select_n3A_298 : i32
        %ne3A_300 = arith.constant 0 : i32
        %ne3A_301 = arith.cmpi ne, %rem3A_299, %ne3A_300 : i32
        %lt3A_302 = arith.constant 0 : i32
        %lt3A_303 = arith.cmpi slt, %rem3A_299, %lt3A_302 : i32
        %lt3A_304 = arith.constant 0 : i32
        %lt3A_305 = arith.cmpi slt, %select_n3A_298, %lt3A_304 : i32
        %ne3A_306 = arith.xori %lt3A_303, %lt3A_305 : i1
        %and3A_307 = arith.andi %ne3A_306, %ne3A_301 : i1
        %add3A_308 = arith.addi %rem3A_299, %select_n3A_298 : i32
        %select_n3A_309 = arith.select %and3A_307, %add3A_308, %rem3A_299 : i32
        %dma_wait3A = arith.constant 0 : i32
        %dma_wait3A_310 = tpu.memref_slice %arg5[%dma_wait3A] : memref<1000000xf32, #tpu.memory_space<vmem_shared>> -> memref<1000000xf32, #tpu.memory_space<vmem_shared>>
        tpu.wait_indirect_dma semaphore(%arg22 : memref<!tpu.dma_semaphore, #tpu.memory_space<semaphore_mem>>) src(%dma_wait3A_310 : memref<1000000xf32, #tpu.memory_space<vmem_shared>>) dst(%arg20 : memref<4096xf32, #tpu.memory_space<vmem>>)
        %mul3A_311 = arith.constant 4096 : i32
        %mul3A_312 = arith.muli %select_n3A_309, %mul3A_311 : i32
        %multiple_of3A = tpu.assume_multiple %mul3A_312, 4096 : i32
        %mul3A_313 = arith.constant 64 : i32
        %mul3A_314 = arith.muli %select_n3A, %mul3A_313 : i32
        %add3A_315 = arith.addi %mul3A_314, %mul3A_0 : i32
        %add3A_316 = arith.addi %add3A_315, %add3A_96 : i32
        "tpu.region"() ({
          %run_scoped3A = tpu.sem_alloc : memref<!tpu.dma_semaphore, #tpu.memory_space<semaphore_mem>>
          %dma_start3A_317 = tpu.memref_slice %arg4[%add3A_316, %multiple_of3A] : memref<3200x16384xf32, #tpu.memory_space<hbm>> -> memref<1x4096xf32, #tpu.memory_space<hbm>>
          %dma_start3A_318 = tpu.memref_squeeze %dma_start3A_317 : memref<1x4096xf32, #tpu.memory_space<hbm>> -> memref<4096xf32, #tpu.memory_space<hbm>>
          %dma_start3A_319 = tpu.memref_slice %arg4[%add3A_316, %multiple_of3A] : memref<3200x16384xf32, #tpu.memory_space<hbm>> -> memref<1x4096xf32, #tpu.memory_space<hbm>>
          %dma_start3A_320 = tpu.memref_squeeze %dma_start3A_319 : memref<1x4096xf32, #tpu.memory_space<hbm>> -> memref<4096xf32, #tpu.memory_space<hbm>>
          tpu.enqueue_dma source(%arg20 : memref<4096xf32, #tpu.memory_space<vmem>>) target(%dma_start3A_320 : memref<4096xf32, #tpu.memory_space<hbm>>) target_semaphore(%run_scoped3A : memref<!tpu.dma_semaphore, #tpu.memory_space<semaphore_mem>>)
          %dma_wait3A_321 = tpu.memref_slice %arg4[%add3A_316, %multiple_of3A] : memref<3200x16384xf32, #tpu.memory_space<hbm>> -> memref<1x4096xf32, #tpu.memory_space<hbm>>
          %dma_wait3A_322 = tpu.memref_squeeze %dma_wait3A_321 : memref<1x4096xf32, #tpu.memory_space<hbm>> -> memref<4096xf32, #tpu.memory_space<hbm>>
          %dma_wait3A_323 = tpu.memref_slice %arg4[%add3A_316, %multiple_of3A] : memref<3200x16384xf32, #tpu.memory_space<hbm>> -> memref<1x4096xf32, #tpu.memory_space<hbm>>
          %dma_wait3A_324 = tpu.memref_squeeze %dma_wait3A_323 : memref<1x4096xf32, #tpu.memory_space<hbm>> -> memref<4096xf32, #tpu.memory_space<hbm>>
          tpu.wait_dma2 semaphore(%run_scoped3A : memref<!tpu.dma_semaphore, #tpu.memory_space<semaphore_mem>>) src(%arg20 : memref<4096xf32, #tpu.memory_space<vmem>>) dst(%dma_wait3A_324 : memref<4096xf32, #tpu.memory_space<hbm>>)
          tpu.yield
        }) : () -> ()
      } else {
      }
      %add3A_242 = arith.constant 160 : i32
      %add3A_243 = arith.addi %arg1, %add3A_242 : i32
      %add3A_244 = arith.constant 176 : i32
      %add3A_245 = arith.addi %arg1, %add3A_244 : i32
      %lt3A_246 = arith.constant 200 : i32
      %lt3A_247 = arith.cmpi slt, %add3A_245, %lt3A_246 : i32
      %convert_element_type3A_248 = arith.extui %lt3A_247 : i1 to i32
      %cond3A_249 = arith.constant 0 : i32
      %cond3A_250 = arith.cmpi ne, %convert_element_type3A_248, %cond3A_249 : i32
      scf.if %cond3A_250 {
        %dma_start3A_278 = arith.constant 0 : i32
        %dma_start3A_279 = tpu.memref_slice %arg5[%dma_start3A_278] : memref<1000000xf32, #tpu.memory_space<vmem_shared>> -> memref<1000000xf32, #tpu.memory_space<vmem_shared>>
        tpu.enqueue_indirect_dma source(%dma_start3A_279 : memref<1000000xf32, #tpu.memory_space<vmem_shared>>) target(%arg20 : memref<4096xf32, #tpu.memory_space<vmem>>) offsets(%arg17 : memref<4096xi32, #tpu.memory_space<vmem>>) semaphore(%arg22 : memref<!tpu.dma_semaphore, #tpu.memory_space<semaphore_mem>>)
      } else {
      }
      %lt3A_251 = arith.constant 200 : i32
      %lt3A_252 = arith.cmpi slt, %add3A_243, %lt3A_251 : i32
      %convert_element_type3A_253 = arith.extui %lt3A_252 : i1 to i32
      %cond3A_254 = arith.constant 0 : i32
      %cond3A_255 = arith.cmpi ne, %convert_element_type3A_253, %cond3A_254 : i32
      scf.if %cond3A_255 {
        %jit3A = arith.constant 4 : i32
        %div3A = arith.divsi %add3A_243, %jit3A : i32
        %sign3A = arith.constant 0 : i32
        %sign3A_278 = arith.cmpi sgt, %add3A_243, %sign3A : i32
        %sign3A_279 = arith.extui %sign3A_278 : i1 to i32
        %sign3A_280 = arith.constant 0 : i32
        %sign3A_281 = arith.cmpi slt, %add3A_243, %sign3A_280 : i32
        %sign3A_282 = arith.extui %sign3A_281 : i1 to i32
        %sign3A_283 = arith.subi %sign3A_279, %sign3A_282 : i32
        %sign3A_284 = arith.constant 0 : i32
        %sign3A_285 = arith.cmpi sgt, %jit3A, %sign3A_284 : i32
        %sign3A_286 = arith.extui %sign3A_285 : i1 to i32
        %sign3A_287 = arith.constant 0 : i32
        %sign3A_288 = arith.cmpi slt, %jit3A, %sign3A_287 : i32
        %sign3A_289 = arith.extui %sign3A_288 : i1 to i32
        %sign3A_290 = arith.subi %sign3A_286, %sign3A_289 : i32
        %ne3A = arith.cmpi ne, %sign3A_283, %sign3A_290 : i32
        %rem3A = arith.remsi %add3A_243, %jit3A : i32
        %ne3A_291 = arith.constant 0 : i32
        %ne3A_292 = arith.cmpi ne, %rem3A, %ne3A_291 : i32
        %and3A = arith.andi %ne3A, %ne3A_292 : i1
        %sub3A = arith.constant 1 : i32
        %sub3A_293 = arith.subi %div3A, %sub3A : i32
        %select_n3A = arith.select %and3A, %sub3A_293, %div3A : i32
        %jit3A_294 = arith.constant 4 : i32
        %eq3A_295 = arith.constant 0 : i32
        %eq3A_296 = arith.cmpi eq, %jit3A_294, %eq3A_295 : i32
        %jit3A_297 = arith.constant 1 : i32
        %select_n3A_298 = arith.select %eq3A_296, %jit3A_297, %jit3A_294 : i32
        %rem3A_299 = arith.remsi %add3A_243, %select_n3A_298 : i32
        %ne3A_300 = arith.constant 0 : i32
        %ne3A_301 = arith.cmpi ne, %rem3A_299, %ne3A_300 : i32
        %lt3A_302 = arith.constant 0 : i32
        %lt3A_303 = arith.cmpi slt, %rem3A_299, %lt3A_302 : i32
        %lt3A_304 = arith.constant 0 : i32
        %lt3A_305 = arith.cmpi slt, %select_n3A_298, %lt3A_304 : i32
        %ne3A_306 = arith.xori %lt3A_303, %lt3A_305 : i1
        %and3A_307 = arith.andi %ne3A_306, %ne3A_301 : i1
        %add3A_308 = arith.addi %rem3A_299, %select_n3A_298 : i32
        %select_n3A_309 = arith.select %and3A_307, %add3A_308, %rem3A_299 : i32
        %dma_wait3A = arith.constant 0 : i32
        %dma_wait3A_310 = tpu.memref_slice %arg5[%dma_wait3A] : memref<1000000xf32, #tpu.memory_space<vmem_shared>> -> memref<1000000xf32, #tpu.memory_space<vmem_shared>>
        tpu.wait_indirect_dma semaphore(%arg21 : memref<!tpu.dma_semaphore, #tpu.memory_space<semaphore_mem>>) src(%dma_wait3A_310 : memref<1000000xf32, #tpu.memory_space<vmem_shared>>) dst(%arg19 : memref<4096xf32, #tpu.memory_space<vmem>>)
        %mul3A_311 = arith.constant 4096 : i32
        %mul3A_312 = arith.muli %select_n3A_309, %mul3A_311 : i32
        %multiple_of3A = tpu.assume_multiple %mul3A_312, 4096 : i32
        %mul3A_313 = arith.constant 64 : i32
        %mul3A_314 = arith.muli %select_n3A, %mul3A_313 : i32
        %add3A_315 = arith.addi %mul3A_314, %mul3A_0 : i32
        %add3A_316 = arith.addi %add3A_315, %add3A_96 : i32
        "tpu.region"() ({
          %run_scoped3A = tpu.sem_alloc : memref<!tpu.dma_semaphore, #tpu.memory_space<semaphore_mem>>
          %dma_start3A_317 = tpu.memref_slice %arg4[%add3A_316, %multiple_of3A] : memref<3200x16384xf32, #tpu.memory_space<hbm>> -> memref<1x4096xf32, #tpu.memory_space<hbm>>
          %dma_start3A_318 = tpu.memref_squeeze %dma_start3A_317 : memref<1x4096xf32, #tpu.memory_space<hbm>> -> memref<4096xf32, #tpu.memory_space<hbm>>
          %dma_start3A_319 = tpu.memref_slice %arg4[%add3A_316, %multiple_of3A] : memref<3200x16384xf32, #tpu.memory_space<hbm>> -> memref<1x4096xf32, #tpu.memory_space<hbm>>
          %dma_start3A_320 = tpu.memref_squeeze %dma_start3A_319 : memref<1x4096xf32, #tpu.memory_space<hbm>> -> memref<4096xf32, #tpu.memory_space<hbm>>
          tpu.enqueue_dma source(%arg19 : memref<4096xf32, #tpu.memory_space<vmem>>) target(%dma_start3A_320 : memref<4096xf32, #tpu.memory_space<hbm>>) target_semaphore(%run_scoped3A : memref<!tpu.dma_semaphore, #tpu.memory_space<semaphore_mem>>)
          %dma_wait3A_321 = tpu.memref_slice %arg4[%add3A_316, %multiple_of3A] : memref<3200x16384xf32, #tpu.memory_space<hbm>> -> memref<1x4096xf32, #tpu.memory_space<hbm>>
          %dma_wait3A_322 = tpu.memref_squeeze %dma_wait3A_321 : memref<1x4096xf32, #tpu.memory_space<hbm>> -> memref<4096xf32, #tpu.memory_space<hbm>>
          %dma_wait3A_323 = tpu.memref_slice %arg4[%add3A_316, %multiple_of3A] : memref<3200x16384xf32, #tpu.memory_space<hbm>> -> memref<1x4096xf32, #tpu.memory_space<hbm>>
          %dma_wait3A_324 = tpu.memref_squeeze %dma_wait3A_323 : memref<1x4096xf32, #tpu.memory_space<hbm>> -> memref<4096xf32, #tpu.memory_space<hbm>>
          tpu.wait_dma2 semaphore(%run_scoped3A : memref<!tpu.dma_semaphore, #tpu.memory_space<semaphore_mem>>) src(%arg19 : memref<4096xf32, #tpu.memory_space<vmem>>) dst(%dma_wait3A_324 : memref<4096xf32, #tpu.memory_space<hbm>>)
          tpu.yield
        }) : () -> ()
      } else {
      }
      %add3A_256 = arith.constant 176 : i32
      %add3A_257 = arith.addi %arg1, %add3A_256 : i32
      %add3A_258 = arith.constant 192 : i32
      %add3A_259 = arith.addi %arg1, %add3A_258 : i32
      %lt3A_260 = arith.constant 200 : i32
      %lt3A_261 = arith.cmpi slt, %add3A_259, %lt3A_260 : i32
      %convert_element_type3A_262 = arith.extui %lt3A_261 : i1 to i32
      %cond3A_263 = arith.constant 0 : i32
      %cond3A_264 = arith.cmpi ne, %convert_element_type3A_262, %cond3A_263 : i32
      scf.if %cond3A_264 {
        %dma_start3A_278 = arith.constant 0 : i32
        %dma_start3A_279 = tpu.memref_slice %arg5[%dma_start3A_278] : memref<1000000xf32, #tpu.memory_space<vmem_shared>> -> memref<1000000xf32, #tpu.memory_space<vmem_shared>>
        tpu.enqueue_indirect_dma source(%dma_start3A_279 : memref<1000000xf32, #tpu.memory_space<vmem_shared>>) target(%arg19 : memref<4096xf32, #tpu.memory_space<vmem>>) offsets(%arg18 : memref<4096xi32, #tpu.memory_space<vmem>>) semaphore(%arg21 : memref<!tpu.dma_semaphore, #tpu.memory_space<semaphore_mem>>)
      } else {
      }
      %lt3A_265 = arith.constant 200 : i32
      %lt3A_266 = arith.cmpi slt, %add3A_257, %lt3A_265 : i32
      %convert_element_type3A_267 = arith.extui %lt3A_266 : i1 to i32
      %cond3A_268 = arith.constant 0 : i32
      %cond3A_269 = arith.cmpi ne, %convert_element_type3A_267, %cond3A_268 : i32
      scf.if %cond3A_269 {
        %jit3A = arith.constant 4 : i32
        %div3A = arith.divsi %add3A_257, %jit3A : i32
        %sign3A = arith.constant 0 : i32
        %sign3A_278 = arith.cmpi sgt, %add3A_257, %sign3A : i32
        %sign3A_279 = arith.extui %sign3A_278 : i1 to i32
        %sign3A_280 = arith.constant 0 : i32
        %sign3A_281 = arith.cmpi slt, %add3A_257, %sign3A_280 : i32
        %sign3A_282 = arith.extui %sign3A_281 : i1 to i32
        %sign3A_283 = arith.subi %sign3A_279, %sign3A_282 : i32
        %sign3A_284 = arith.constant 0 : i32
        %sign3A_285 = arith.cmpi sgt, %jit3A, %sign3A_284 : i32
        %sign3A_286 = arith.extui %sign3A_285 : i1 to i32
        %sign3A_287 = arith.constant 0 : i32
        %sign3A_288 = arith.cmpi slt, %jit3A, %sign3A_287 : i32
        %sign3A_289 = arith.extui %sign3A_288 : i1 to i32
        %sign3A_290 = arith.subi %sign3A_286, %sign3A_289 : i32
        %ne3A = arith.cmpi ne, %sign3A_283, %sign3A_290 : i32
        %rem3A = arith.remsi %add3A_257, %jit3A : i32
        %ne3A_291 = arith.constant 0 : i32
        %ne3A_292 = arith.cmpi ne, %rem3A, %ne3A_291 : i32
        %and3A = arith.andi %ne3A, %ne3A_292 : i1
        %sub3A = arith.constant 1 : i32
        %sub3A_293 = arith.subi %div3A, %sub3A : i32
        %select_n3A = arith.select %and3A, %sub3A_293, %div3A : i32
        %jit3A_294 = arith.constant 4 : i32
        %eq3A_295 = arith.constant 0 : i32
        %eq3A_296 = arith.cmpi eq, %jit3A_294, %eq3A_295 : i32
        %jit3A_297 = arith.constant 1 : i32
        %select_n3A_298 = arith.select %eq3A_296, %jit3A_297, %jit3A_294 : i32
        %rem3A_299 = arith.remsi %add3A_257, %select_n3A_298 : i32
        %ne3A_300 = arith.constant 0 : i32
        %ne3A_301 = arith.cmpi ne, %rem3A_299, %ne3A_300 : i32
        %lt3A_302 = arith.constant 0 : i32
        %lt3A_303 = arith.cmpi slt, %rem3A_299, %lt3A_302 : i32
        %lt3A_304 = arith.constant 0 : i32
        %lt3A_305 = arith.cmpi slt, %select_n3A_298, %lt3A_304 : i32
        %ne3A_306 = arith.xori %lt3A_303, %lt3A_305 : i1
        %and3A_307 = arith.andi %ne3A_306, %ne3A_301 : i1
        %add3A_308 = arith.addi %rem3A_299, %select_n3A_298 : i32
        %select_n3A_309 = arith.select %and3A_307, %add3A_308, %rem3A_299 : i32
        %dma_wait3A = arith.constant 0 : i32
        %dma_wait3A_310 = tpu.memref_slice %arg5[%dma_wait3A] : memref<1000000xf32, #tpu.memory_space<vmem_shared>> -> memref<1000000xf32, #tpu.memory_space<vmem_shared>>
        tpu.wait_indirect_dma semaphore(%arg22 : memref<!tpu.dma_semaphore, #tpu.memory_space<semaphore_mem>>) src(%dma_wait3A_310 : memref<1000000xf32, #tpu.memory_space<vmem_shared>>) dst(%arg20 : memref<4096xf32, #tpu.memory_space<vmem>>)
        %mul3A_311 = arith.constant 4096 : i32
        %mul3A_312 = arith.muli %select_n3A_309, %mul3A_311 : i32
        %multiple_of3A = tpu.assume_multiple %mul3A_312, 4096 : i32
        %mul3A_313 = arith.constant 64 : i32
        %mul3A_314 = arith.muli %select_n3A, %mul3A_313 : i32
        %add3A_315 = arith.addi %mul3A_314, %mul3A_0 : i32
        %add3A_316 = arith.addi %add3A_315, %add3A_96 : i32
        "tpu.region"() ({
          %run_scoped3A = tpu.sem_alloc : memref<!tpu.dma_semaphore, #tpu.memory_space<semaphore_mem>>
          %dma_start3A_317 = tpu.memref_slice %arg4[%add3A_316, %multiple_of3A] : memref<3200x16384xf32, #tpu.memory_space<hbm>> -> memref<1x4096xf32, #tpu.memory_space<hbm>>
          %dma_start3A_318 = tpu.memref_squeeze %dma_start3A_317 : memref<1x4096xf32, #tpu.memory_space<hbm>> -> memref<4096xf32, #tpu.memory_space<hbm>>
          %dma_start3A_319 = tpu.memref_slice %arg4[%add3A_316, %multiple_of3A] : memref<3200x16384xf32, #tpu.memory_space<hbm>> -> memref<1x4096xf32, #tpu.memory_space<hbm>>
          %dma_start3A_320 = tpu.memref_squeeze %dma_start3A_319 : memref<1x4096xf32, #tpu.memory_space<hbm>> -> memref<4096xf32, #tpu.memory_space<hbm>>
          tpu.enqueue_dma source(%arg20 : memref<4096xf32, #tpu.memory_space<vmem>>) target(%dma_start3A_320 : memref<4096xf32, #tpu.memory_space<hbm>>) target_semaphore(%run_scoped3A : memref<!tpu.dma_semaphore, #tpu.memory_space<semaphore_mem>>)
          %dma_wait3A_321 = tpu.memref_slice %arg4[%add3A_316, %multiple_of3A] : memref<3200x16384xf32, #tpu.memory_space<hbm>> -> memref<1x4096xf32, #tpu.memory_space<hbm>>
          %dma_wait3A_322 = tpu.memref_squeeze %dma_wait3A_321 : memref<1x4096xf32, #tpu.memory_space<hbm>> -> memref<4096xf32, #tpu.memory_space<hbm>>
          %dma_wait3A_323 = tpu.memref_slice %arg4[%add3A_316, %multiple_of3A] : memref<3200x16384xf32, #tpu.memory_space<hbm>> -> memref<1x4096xf32, #tpu.memory_space<hbm>>
          %dma_wait3A_324 = tpu.memref_squeeze %dma_wait3A_323 : memref<1x4096xf32, #tpu.memory_space<hbm>> -> memref<4096xf32, #tpu.memory_space<hbm>>
          tpu.wait_dma2 semaphore(%run_scoped3A : memref<!tpu.dma_semaphore, #tpu.memory_space<semaphore_mem>>) src(%arg20 : memref<4096xf32, #tpu.memory_space<vmem>>) dst(%dma_wait3A_324 : memref<4096xf32, #tpu.memory_space<hbm>>)
          tpu.yield
        }) : () -> ()
      } else {
      }
      %add3A_270 = arith.constant 192 : i32
      %add3A_271 = arith.addi %arg1, %add3A_270 : i32
      %lt3A_272 = arith.constant 200 : i32
      %lt3A_273 = arith.cmpi slt, %add3A_271, %lt3A_272 : i32
      %convert_element_type3A_274 = arith.extui %lt3A_273 : i1 to i32
      %cond3A_275 = arith.constant 0 : i32
      %cond3A_276 = arith.cmpi ne, %convert_element_type3A_274, %cond3A_275 : i32
      scf.if %cond3A_276 {
        %jit3A = arith.constant 4 : i32
        %div3A = arith.divsi %add3A_271, %jit3A : i32
        %sign3A = arith.constant 0 : i32
        %sign3A_278 = arith.cmpi sgt, %add3A_271, %sign3A : i32
        %sign3A_279 = arith.extui %sign3A_278 : i1 to i32
        %sign3A_280 = arith.constant 0 : i32
        %sign3A_281 = arith.cmpi slt, %add3A_271, %sign3A_280 : i32
        %sign3A_282 = arith.extui %sign3A_281 : i1 to i32
        %sign3A_283 = arith.subi %sign3A_279, %sign3A_282 : i32
        %sign3A_284 = arith.constant 0 : i32
        %sign3A_285 = arith.cmpi sgt, %jit3A, %sign3A_284 : i32
        %sign3A_286 = arith.extui %sign3A_285 : i1 to i32
        %sign3A_287 = arith.constant 0 : i32
        %sign3A_288 = arith.cmpi slt, %jit3A, %sign3A_287 : i32
        %sign3A_289 = arith.extui %sign3A_288 : i1 to i32
        %sign3A_290 = arith.subi %sign3A_286, %sign3A_289 : i32
        %ne3A = arith.cmpi ne, %sign3A_283, %sign3A_290 : i32
        %rem3A = arith.remsi %add3A_271, %jit3A : i32
        %ne3A_291 = arith.constant 0 : i32
        %ne3A_292 = arith.cmpi ne, %rem3A, %ne3A_291 : i32
        %and3A = arith.andi %ne3A, %ne3A_292 : i1
        %sub3A = arith.constant 1 : i32
        %sub3A_293 = arith.subi %div3A, %sub3A : i32
        %select_n3A = arith.select %and3A, %sub3A_293, %div3A : i32
        %jit3A_294 = arith.constant 4 : i32
        %eq3A_295 = arith.constant 0 : i32
        %eq3A_296 = arith.cmpi eq, %jit3A_294, %eq3A_295 : i32
        %jit3A_297 = arith.constant 1 : i32
        %select_n3A_298 = arith.select %eq3A_296, %jit3A_297, %jit3A_294 : i32
        %rem3A_299 = arith.remsi %add3A_271, %select_n3A_298 : i32
        %ne3A_300 = arith.constant 0 : i32
        %ne3A_301 = arith.cmpi ne, %rem3A_299, %ne3A_300 : i32
        %lt3A_302 = arith.constant 0 : i32
        %lt3A_303 = arith.cmpi slt, %rem3A_299, %lt3A_302 : i32
        %lt3A_304 = arith.constant 0 : i32
        %lt3A_305 = arith.cmpi slt, %select_n3A_298, %lt3A_304 : i32
        %ne3A_306 = arith.xori %lt3A_303, %lt3A_305 : i1
        %and3A_307 = arith.andi %ne3A_306, %ne3A_301 : i1
        %add3A_308 = arith.addi %rem3A_299, %select_n3A_298 : i32
        %select_n3A_309 = arith.select %and3A_307, %add3A_308, %rem3A_299 : i32
        %dma_wait3A = arith.constant 0 : i32
        %dma_wait3A_310 = tpu.memref_slice %arg5[%dma_wait3A] : memref<1000000xf32, #tpu.memory_space<vmem_shared>> -> memref<1000000xf32, #tpu.memory_space<vmem_shared>>
        tpu.wait_indirect_dma semaphore(%arg21 : memref<!tpu.dma_semaphore, #tpu.memory_space<semaphore_mem>>) src(%dma_wait3A_310 : memref<1000000xf32, #tpu.memory_space<vmem_shared>>) dst(%arg19 : memref<4096xf32, #tpu.memory_space<vmem>>)
        %mul3A_311 = arith.constant 4096 : i32
        %mul3A_312 = arith.muli %select_n3A_309, %mul3A_311 : i32
        %multiple_of3A = tpu.assume_multiple %mul3A_312, 4096 : i32
        %mul3A_313 = arith.constant 64 : i32
        %mul3A_314 = arith.muli %select_n3A, %mul3A_313 : i32
        %add3A_315 = arith.addi %mul3A_314, %mul3A_0 : i32
        %add3A_316 = arith.addi %add3A_315, %add3A_96 : i32
        "tpu.region"() ({
          %run_scoped3A = tpu.sem_alloc : memref<!tpu.dma_semaphore, #tpu.memory_space<semaphore_mem>>
          %dma_start3A_317 = tpu.memref_slice %arg4[%add3A_316, %multiple_of3A] : memref<3200x16384xf32, #tpu.memory_space<hbm>> -> memref<1x4096xf32, #tpu.memory_space<hbm>>
          %dma_start3A_318 = tpu.memref_squeeze %dma_start3A_317 : memref<1x4096xf32, #tpu.memory_space<hbm>> -> memref<4096xf32, #tpu.memory_space<hbm>>
          %dma_start3A_319 = tpu.memref_slice %arg4[%add3A_316, %multiple_of3A] : memref<3200x16384xf32, #tpu.memory_space<hbm>> -> memref<1x4096xf32, #tpu.memory_space<hbm>>
          %dma_start3A_320 = tpu.memref_squeeze %dma_start3A_319 : memref<1x4096xf32, #tpu.memory_space<hbm>> -> memref<4096xf32, #tpu.memory_space<hbm>>
          tpu.enqueue_dma source(%arg19 : memref<4096xf32, #tpu.memory_space<vmem>>) target(%dma_start3A_320 : memref<4096xf32, #tpu.memory_space<hbm>>) target_semaphore(%run_scoped3A : memref<!tpu.dma_semaphore, #tpu.memory_space<semaphore_mem>>)
          %dma_wait3A_321 = tpu.memref_slice %arg4[%add3A_316, %multiple_of3A] : memref<3200x16384xf32, #tpu.memory_space<hbm>> -> memref<1x4096xf32, #tpu.memory_space<hbm>>
          %dma_wait3A_322 = tpu.memref_squeeze %dma_wait3A_321 : memref<1x4096xf32, #tpu.memory_space<hbm>> -> memref<4096xf32, #tpu.memory_space<hbm>>
          %dma_wait3A_323 = tpu.memref_slice %arg4[%add3A_316, %multiple_of3A] : memref<3200x16384xf32, #tpu.memory_space<hbm>> -> memref<1x4096xf32, #tpu.memory_space<hbm>>
          %dma_wait3A_324 = tpu.memref_squeeze %dma_wait3A_323 : memref<1x4096xf32, #tpu.memory_space<hbm>> -> memref<4096xf32, #tpu.memory_space<hbm>>
          tpu.wait_dma2 semaphore(%run_scoped3A : memref<!tpu.dma_semaphore, #tpu.memory_space<semaphore_mem>>) src(%arg19 : memref<4096xf32, #tpu.memory_space<vmem>>) dst(%dma_wait3A_324 : memref<4096xf32, #tpu.memory_space<hbm>>)
          tpu.yield
        }) : () -> ()
      } else {
      }
      %barrier3A_277 = arith.constant 0 : index
      tpu.barrier barrier_id(%barrier3A_277)
    }
    %scan3A_91 = arith.constant 32 : i32
    return
  }
}

</mosaic_0001>

<sc_bundles>
// kernel: kernel.3.cloned.1.call-start
scs
__scs_entry_jumppad:
0x0: {  	(pc) =	sbr.rel $0x88, $3  }
0x1: {  	(tag) =	ssettag $0x0;
	lr =	simm.s32 $0x1  }
0x2: {  	[smem:$0x3F9F] =	sst lr;
	_ =	strace $0xD0000000  }
0x3: {  	_ = 	snop  }
0x4: {  	_ = 	snop  }
0x5: {  	_ = 	snop  }
0x6: {  	_ = 	snop  }
0x7: {  	_ = 	snop  }
__scs_overlays_trampoline_lowered:
0x8: {  	[smem:$0x3FAE] =	sst s0  }
0x9: {  	[smem:$0x3FAF] =	sst s1  }
0xa: {  	[smem:$0x3FB0] =	sst s2  }
0xb: {  	[smem:$0x3FB1] =	sst s3  }
0xc: {  	[smem:$0x3FB2] =	sst s4  }
0xd: {  	[smem:$0x3FB3] =	sst s5  }
0xe: {  	[smem:$0x3FB4] =	sst s6  }
0xf: {  	[smem:$0x3FB5] =	sst s7  }
0x10: {  	[smem:$0x3FB6] =	sst s8  }
0x11: {  	[smem:$0x3FB7] =	sst s9;
	s0 =	simm.s32 @!p0 $0x0  }
0x12: {  	s1 =	sld [smem:$0x3F9D];
	s0 =	simm.s32 @p0 $0x1  }
0x13: {  	[smem:$0x3FB8] =	sst s0;
	s0 =	simm.s32 @!p1 $0x0  }
0x14: {  	s2 =	sld [smem:$0x3F9C];
	s0 =	simm.s32 @p1 $0x1  }
0x15: {  	[smem:$0x3FB9] =	sst s0;
	s0 =	simm.s32 @!p2 $0x0  }
0x16: {  	s3 =	sld [smem:$0x3FDB];
	s0 =	simm.s32 @p2 $0x1  }
0x17: {  	s4 =	simm.s32 $0x1BF5;
	[smem:$0x3FBB] =	sst s0  }
0x18: {  	s0 =	sld [smem:$0x3F9E];
	_ =	swait.ge [sflag:s4], $0x0  }
0x19: {  	s7 =	sld [smem:$0x3F9F]  }
0x1a: {  	s8 =	sadd.s32 $0xFFFFE003, lr  }
0x1b: {  	s9 =	sadd.s32 $0xFFFFFEF7, lr;
	s5 =	simm.s32 $0xFFFFFFFF;
	p2 =	slt.u32 s8, $0xFFFFF086  }
0x1c: {  	p1 =	slt.u32 s9, $0xF7A;
	s5 =	simm.s32 @!p2 $0x0  }
0x1d: {  	s5 =	simm.s32 @p1 $0x1;
	p0 =	seq.s32 s7, s2  }
0x1e: {  	s7 =	smul.u32 @!p0 $0xF7A, s2;
	p2 =	seq.s32 @!p0 s5, $0x0  }
0x1f: {  	s9 =	smul.u32 $0xF7A, s1;
	s8 =	simm.s32 @!p0 $0x1BF5;
	p2 =	por !p2, p0  }
0x20: {  	[sflag:s8] =	ssyncset.s32 @!p0 $0xFFFFF086;
	s6 =	sadd.s32 @!p0 s3, s7;
	s7 =	simm.s32 @!p0 $0x108  }
0x21: {  	s3 =	sadd.s32 s3, s9;
	s6 =	sadd.s32 @!p0 $0x88, s6;
	s7 =	simm.s32 @p2 $0x1082  }
0x22: {  	[simem:s7], [sflag:s8] =	dma.local @!p0 [hbm:s6], $0xF7A  }
0x23: {  	s9 =	sor.u32 $0xD0000000, s2;
	s6 =	simm.s32 $0x108;
	_ =	swait.ge @!p0 [sflag:s8], $0x0  }
0x24: {  	s3 =	sadd.s32 $0x88, s3;
	s6 =	simm.s32 @!p1 $0x1082;
	[sflag:s4] =	ssyncset.s32 $0xFFFFF086  }
0x25: {  	[simem:s6], [sflag:s4] =	dma.local [hbm:s3], $0xF7A  }
0x26: {  	[smem:$0x3F9F] =	sst s1;
	(tag) =	ssettag s2;
	_ =	strace s9  }
0x27: {  	s1 =	sld [smem:$0x3FAF]  }
0x28: {  	s2 =	sld [smem:$0x3FB0]  }
0x29: {  	s4 =	sld [smem:$0x3FB2]  }
0x2a: {  	p0 =	seq.s32 s5, $0x0;
	s5 =	sld [smem:$0x3FB3]  }
0x2b: {  	s6 =	sld [smem:$0x3FB4]  }
0x2c: {  	s7 =	sld [smem:$0x3FB5]  }
0x2d: {  	s3 =	simm.s32 $0x108;
	s8 =	sld [smem:$0x3FB6]  }
0x2e: {  	s3 =	simm.s32 @!p0 $0x1082;
	s9 =	sld [smem:$0x3FB7]  }
0x2f: {  	lr =	sadd.s32 s0, s3;
	s0 =	sld [smem:$0x3FAE]  }
0x30: {  	s3 =	sld [smem:$0x3FB1]  }
0x31: {  	[smem:$0x3FBA] =	sst s10  }
0x32: {  	s10 =	sld [smem:$0x3FB8];
	_ =	sdelay $0x3  }
0x33: {  	p0 =	seq.s32 s10, $0x1;
	s10 =	sld [smem:$0x3FBA];
	_ =	sdelay $0x3  }
0x34: {  	[smem:$0x3FBA] =	sst s10  }
0x35: {  	s10 =	sld [smem:$0x3FB9];
	_ =	sdelay $0x3  }
0x36: {  	p1 =	seq.s32 s10, $0x1;
	s10 =	sld [smem:$0x3FBA];
	_ =	sdelay $0x3  }
0x37: {  	[smem:$0x3FBA] =	sst s10  }
0x38: {  	s10 =	sld [smem:$0x3FBB]  }
0x39: {  	_ = 	snop;
	(pc) =	sbr.ind lr, $3  }
0x3a: {  	_ = 	snop  }
0x3b: {  	_ = 	snop  }
0x3c: {  	p2 =	seq.s32 s10, $0x1;
	s10 =	sld [smem:$0x3FBA]  }
0x3d: {  	_ =	shalt  }
0x3e: {  	_ =	shalt  }
0x3f: {  	_ =	shalt  }
0x40: {  	_ =	shalt  }
0x41: {  	_ =	shalt  }
0x42: {  	_ =	shalt  }
0x43: {  	_ =	shalt  }
0x44: {  	_ =	shalt  }
0x45: {  	_ =	shalt  }
0x46: {  	_ =	shalt  }
0x47: {  	_ =	shalt  }
0x48: {  	_ =	shalt  }
0x49: {  	_ =	shalt  }
0x4a: {  	_ =	shalt  }
0x4b: {  	_ =	shalt  }
0x4c: {  	_ =	shalt  }
0x4d: {  	_ =	shalt  }
0x4e: {  	_ =	shalt  }
0x4f: {  	_ =	shalt  }
0x50: {  	_ =	shalt  }
0x51: {  	_ =	shalt  }
0x52: {  	_ =	shalt  }
0x53: {  	_ =	shalt  }
0x54: {  	_ =	shalt  }
0x55: {  	_ =	shalt  }
0x56: {  	_ =	shalt  }
0x57: {  	_ =	shalt  }
0x58: {  	_ =	shalt  }
0x59: {  	_ =	shalt  }
0x5a: {  	_ =	shalt  }
0x5b: {  	_ =	shalt  }
0x5c: {  	_ =	shalt  }
0x5d: {  	_ =	shalt  }
0x5e: {  	_ =	shalt  }
0x5f: {  	_ =	shalt  }
0x60: {  	_ =	shalt  }
0x61: {  	_ =	shalt  }
0x62: {  	_ =	shalt  }
0x63: {  	_ =	shalt  }
0x64: {  	_ =	shalt  }
0x65: {  	_ =	shalt  }
0x66: {  	_ =	shalt  }
0x67: {  	_ =	shalt  }
0x68: {  	_ =	shalt  }
0x69: {  	_ =	shalt  }
0x6a: {  	_ =	shalt  }
0x6b: {  	_ =	shalt  }
0x6c: {  	_ =	shalt  }
0x6d: {  	_ =	shalt  }
0x6e: {  	_ =	shalt  }
0x6f: {  	_ =	shalt  }
0x70: {  	_ =	shalt  }
0x71: {  	_ =	shalt  }
0x72: {  	_ =	shalt  }
0x73: {  	_ =	shalt  }
0x74: {  	_ =	shalt  }
0x75: {  	_ =	shalt  }
0x76: {  	_ =	shalt  }
0x77: {  	_ =	shalt  }
0x78: {  	_ =	shalt  }
0x79: {  	_ =	shalt  }
0x7a: {  	_ =	shalt  }
0x7b: {  	_ =	shalt  }
0x7c: {  	_ =	shalt  }
0x7d: {  	_ =	shalt  }
0x7e: {  	_ =	shalt  }
0x7f: {  	_ =	shalt  }
0x80: {  	_ =	shalt  }
0x81: {  	_ =	shalt  }
0x82: {  	_ =	shalt  }
0x83: {  	_ =	shalt  }
0x84: {  	_ =	shalt  }
0x85: {  	_ =	shalt  }
0x86: {  	_ =	shalt  }
0x87: {  	_ =	shalt  }
.Lfunc_end0:
.L_simem_size_0:
called_computation_lowered:
.L_overlay_start_0:
0x88: {  	s2 =	sld [smem:$0x3FD9]  }
0x89: {  	s3 =	sld [smem:$0x3FFE];
	_ =	sdelay $0x1  }
0x8a: {  	s1 =	srdreg.scid  }
0x8b: {  	s0 =	sand.u32 $0x1, s1  }
0x8c: {  	s17 =	sshll.u32 s0, $0xA;
	s2 =	sadd.s32 s3, s2  }
0x8d: {  	s2 =	sadd.s32 s2, s17  }
0x8e: {  	[smem:$0x3FC6] =	sst s2  }
0x8f: {  	_ = 	snop  }
0x90: {  	s2 =	sld [smem:$0x3FC8]  }
0x91: {  	s18 =	sld [smem:$0x3FD0];
	(tm) =	ssettm $0x1  }
0x92: {  	s4 =	sld [smem:$0x3FFB];
	_ =	sdelay $0x3  }
0x93: {  	_ =	strace s4  }
0x94: {  	s4 =	sld [smem:$0x3FFC];
	_ =	sdelay $0x3  }
0x95: {  	_ =	strace s4  }
0x96: {  	s4 =	sld [smem:$0x3FFD];
	_ =	sdelay $0x3  }
0x97: {  	_ =	strace s4  }
0x98: {  	_ =	strace $0x8FFFFFFF  }
0x99: {  	s19 =	sld [smem:$0x3FDB];
	_ =	sdelay $0x1  }
0x9a: {  	s5 =	simm.s32 $_scs_section_size  }
0x9b: {  	s6 =	simm.s32 $_size__tile_overlayer_lowered;
	s7 =	simm.s32 $_tile_overlayer_lowered  }
0x9c: {  	s22 =	simm.s32 $0x1BFF;
	s21 =	sshll.u32 s7, $0x1;
	s4 =	sadd.s32 s5, s19  }
0x9d: {  	s8 =	simm.s32 $0x0;
	s20 =	sshll.u32 s6, $0x1;
	s6 =	sadd.s32 s21, s4  }
0x9e: {  	[timem:s8], [sflag:s22] =	dma.local [hbm:s6], s20  }
0x9f: {  	_ =	swait.ge [sflag:s22], s20  }
0xa0: {  	s5 =	ssub.s32 $0x0, s20;
	[sflag:s22] =	ssyncset.done $0x0  }
0xa1: {  	[sflag:s22] =	ssyncadd.s32 s5;
	_ =	sdelay $0x1  }
0xa2: {  	s23 =	simm.s32 $0x1B8B  }
0xa3: {  	_ =	swait.ge [sflag:s23], $0x1  }
0xa4: {  	[sflag:s23] =	ssyncset.done $0x0  }
0xa5: {  	s25 =	simm.s32 $0x1B8E;
	s24 =	sld [smem:$0x3FFE];
	[sflag:s23] =	ssyncadd.s32 $0xFFFFFFFF  }
0xa6: {  	s26 =	simm.s32 $execute0_lowered;
	[smem:$0x3FD2] =	sst s25  }
0xa7: {  	s6 =	sshll.u32 s26, $0x1;
	_ =	strace $0x80000046;
	[dreg:$0x1] =	wrdreg $0xFFFFFFFF  }
0xa8: {  	s28 =	simm.s32 $_size_execute0_lowered;
	s4 =	sadd.s32 s4, s6;
	[dreg:$0x0] =	wrdreg $0x0  }
0xa9: {  	s6 =	sshll.u32 s28, $0x1;
	[dreg:$0x2] =	wrdreg s4  }
0xaa: {  	[dreg:$0x3] =	wrdreg s6  }
0xab: {  	[dreg:$0x4] =	wrdreg $0xC0  }
0xac: {  	_ =	task [dreg:s8], $0x5FFFF  }
0xad: {  	[dreg:$0x1] =	wrdreg $0xFFFFFFFF  }
0xae: {  	[dreg:$0x0] =	wrdreg $0x60  }
0xaf: {  	[dreg:$0x2] =	wrdreg s24  }
0xb0: {  	[dreg:$0x3] =	wrdreg s2  }
0xb1: {  	[dreg:$0x4] =	wrdreg s18  }
0xb2: {  	[dreg:$0x5] =	wrdreg $0x0  }
0xb3: {  	[dreg:$0x6] =	wrdreg $0x9  }
0xb4: {  	_ =	task.clear_ibuf [dreg:s8], $0x7FFFF;
	_ =	strace $0x90000046  }
0xb5: {  	s29 =	simm.s32 $0x9;
	_ =	strace $0x80000048  }
0xb6: {  	_ =	swait.ge [sflag:s29], $0x1  }
0xb7: {  	[sflag:s29] =	ssyncadd.s32 $0xFFFFFFFF  }
0xb8: {  	_ =	strace $0x90000048  }
0xb9: {  	_ =	sfence  }
0xba: {  	s30 =	sld [smem:$0x0];
	_ =	sdelay $0x2  }
0xbb: {  	s31 =	sshll.u32 s1, $0xD;
	s1 =	sshrl.u32 s1, $0x2  }
0xbc: {  	s3 =	sand.u32 $0x4000, s31;
	s1 =	sadd.s32 s1, s30  }
0xbd: {  	s0 =	sor.u32 s3, s0;
	s1 =	sshll.u32 s1, $0x11  }
0xbe: {  	s0 =	sor.u32 s1, s0  }
0xbf: {  	s0 =	sadd.s32 $0x8F2B, s0  }
0xc0: {  	[sflag:s0] =	ssyncadd.remote.s32 $0x1  }
0xc1: {  	_ =	sfence.sel $0xFFFF  }
0xc2: {  	[dreg:$0x0] =	wrdreg $0xFFFFFFFF;
	(pc) =	sbr.abs _section_cstart, $3  }
0xc3: {  	[dreg:$0x1] =	wrdreg $0xFFFFFFFF  }
0xc4: {  	_ =	task.clear_ibuf [dreg:s8], $0x2FFFF;
	_ =	strace $0x9FFFFFFF  }
0xc5: {  	(tm) =	ssettm $0x7FFFFFFF  }
tec
execute0_lowered:
.L_overlay_start_1:
0x0: {  	(tag) =	ssettag $0x1  }
0x1: {  	s1 =	rddreg [dreg:$0x0]  }
0x2: {  	s0 =	rddreg [dreg:$0x1]  }
0x3: {  	s10 =	rddreg [dreg:$0x2]  }
0x4: {  	s2 =	rddreg [dreg:$0x3]  }
0x5: {  	s16 =	simm.s32 $0x0;
	s3 =	srdreg.scid;
	[dreg:$0x5] =	wrdreg s0  }
0x6: {  	[smem:$0x7FF] =	sst s16;
	s0 =	stileid.u32;
	s3 =	sand.u32 $0x1, s3  }
0x7: {  	s7 =	sadd.s32 $0x400, s1;
	_ =	strace $0x80000047;
	s4 =	ssub.s32 $0x2, s3  }
0x8: {  	s5 =	sshll.u32 s0, $0xC;
	s6 =	sshll.u32 s0, $0x7;
	s9 =	sshll.u32 s3, $0x5  }
0x9: {  	s3 =	sshll.u32 s3, $0x10;
	p1 =	sgt.u32 s0, $0x7;
	s17 =	sshrl.u32 s4, $0x1  }
0xa: {  	s6 =	sor.u32 s6, s5;
	[dreg:$0x14] =	wrdreg s9;
	s1 =	ssub.s32 s4, s17  }
0xb: {  	s18 =	sand.u32 $0x8380, s6;
	s8 =	sor.u32 $0x10000, s6;
	s20 =	sor.u32 $0x20000, s6  }
0xc: {  	s22 =	sor.u32 $0x30000, s6;
	s23 =	sor.u32 $0x40000, s6;
	s28 =	sor.u32 $0x50000, s6  }
0xd: {  	s30 =	sor.u32 $0x60000, s6;
	s31 =	sor.u32 $0x70000, s6;
	s14 =	sor.u32 $0x80000, s6  }
0xe: {  	s16 =	sor.u32 $0x90000, s6;
	s17 =	sor.u32 $0xA0000, s6;
	s6 =	sor.u32 $0xB0000, s6  }
0xf: {  	s4 =	sshrl.u32 s18, $0x3;
	s8 =	sand.u32 $0x18380, s8;
	s21 =	sand.u32 $0x28380, s20  }
0x10: {  	s25 =	sand.u32 $0x48380, s23;
	s29 =	sand.u32 $0x58380, s28;
	s12 =	sand.u32 $0x78380, s31  }
0x11: {  	s15 =	sand.u32 $0x88380, s14;
	s4 =	sadd.s32 s7, s4;
	s19 =	sshrl.u32 s8, $0x3  }
0x12: {  	s1 =	smax.u32 s1, $0x1;
	[dreg:$0x15] =	wrdreg s4;
	s4 =	sadd.s32 s7, s19  }
0x13: {  	s8 =	sand.u32 $0x38380, s22;
	[dreg:$0x16] =	wrdreg s4;
	s4 =	sshrl.u32 s21, $0x3  }
0x14: {  	s26 =	sshrl.u32 s25, $0x3;
	s24 =	sshrl.u32 s8, $0x3;
	s4 =	sadd.s32 s7, s4  }
0x15: {  	s13 =	sshrl.u32 s12, $0x3;
	[dreg:$0x17] =	wrdreg s4;
	s4 =	sadd.s32 s7, s24  }
0x16: {  	s22 =	sshll.u32 s0, $0x4;
	[dreg:$0x18] =	wrdreg s4;
	s4 =	sadd.s32 s7, s26  }
0x17: {  	s8 =	sand.u32 $0x68380, s30;
	[dreg:$0x19] =	wrdreg s4;
	s4 =	sshrl.u32 s29, $0x3  }
0x18: {  	[smem:$0x7FD] =	sst s1;
	s11 =	sshrl.u32 s8, $0x3;
	s4 =	sadd.s32 s7, s4  }
0x19: {  	s19 =	sand.u32 $0xA8380, s17;
	[dreg:$0x1a] =	wrdreg s4;
	s4 =	sadd.s32 s7, s11  }
0x1a: {  	s8 =	sand.u32 $0x98380, s16;
	[dreg:$0x1b] =	wrdreg s4;
	s4 =	sadd.s32 s7, s13  }
0x1b: {  	s20 =	sshrl.u32 s19, $0x3;
	[dreg:$0x1c] =	wrdreg s4;
	s4 =	sshrl.u32 s15, $0x3  }
0x1c: {  	s21 =	sand.u32 $0xB8380, s6;
	s18 =	sshrl.u32 s8, $0x3;
	s4 =	sadd.s32 s7, s4  }
0x1d: {  	s16 =	sand.u32 $0x3000, s5;
	[dreg:$0x1d] =	wrdreg s4;
	s4 =	sadd.s32 s7, s18  }
0x1e: {  	s23 =	sadd.s32 s16, s10;
	[dreg:$0x1e] =	wrdreg s4;
	s4 =	sadd.s32 s7, s20  }
0x1f: {  	s25 =	sadd.s32 $0x600000, s23;
	[dreg:$0x1f] =	wrdreg s4;
	s4 =	sshrl.u32 s21, $0x3  }
0x20: {  	s24 =	sadd.s32 s22, s7;
	[dreg:$0x6] =	wrdreg s25;
	s4 =	sadd.s32 s7, s4  }
0x21: {  	p0 =	sne.s32 s0, $0x0;
	[smem:$0x7FB] =	sst s4;
	s4 =	sadd.s32 $0x18000, s24  }
0x22: {  	s1 =	simm.s32 $0x0;
	[smem:$0x7FC] =	sst s4;
	s4 =	sshll.u32 s0, $0xF  }
0x23: {  	s26 =	sand.u32 $0x60000, s4;
	s28 =	sor.u32 $0x80000, s4;
	s29 =	sor.u32 $0x100000, s4  }
0x24: {  	s8 =	sor.u32 $0x180000, s4;
	s10 =	sor.u32 $0x200000, s4;
	s11 =	sor.u32 $0x280000, s4  }
0x25: {  	s15 =	sor.u32 $0x300000, s4;
	s18 =	sor.u32 $0x380000, s4;
	s19 =	sor.u32 $0x400000, s4  }
0x26: {  	s23 =	sor.u32 $0x480000, s4;
	s25 =	sor.u32 $0x500000, s4;
	s5 =	sor.u32 s3, s26  }
0x27: {  	s6 =	sand.u32 $0xE0000, s28;
	s31 =	sand.u32 $0x160000, s29;
	s9 =	sand.u32 $0x1E0000, s8  }
0x28: {  	s13 =	sand.u32 $0x2E0000, s11;
	s17 =	sand.u32 $0x360000, s15;
	s21 =	sand.u32 $0x460000, s19  }
0x29: {  	s24 =	sand.u32 $0x4E0000, s23;
	s26 =	sor.u32 $0x580000, s4;
	s4 =	sand.u32 $0x20000, s4  }
0x2a: {  	s23 =	simm.s32 $0x3;
	[dreg:$0x7] =	wrdreg s5;
	s30 =	sor.u32 s3, s6  }
0x2b: {  	s8 =	simm.s32 $0x1C428;
	s7 =	sor.u32 s3, s31;
	[dreg:$0x8] =	wrdreg s30  }
0x2c: {  	s11 =	simm.s32 $0x2;
	s5 =	sor.u32 s3, s9;
	[dreg:$0x9] =	wrdreg s7  }
0x2d: {  	s15 =	simm.s32 $0xF428;
	s14 =	sor.u32 s3, s13;
	[dreg:$0xa] =	wrdreg s5  }
0x2e: {  	s6 =	sand.u32 $0x260000, s10;
	s22 =	sor.u32 s3, s21;
	[dreg:$0xc] =	wrdreg s14  }
0x2f: {  	s29 =	sand.u32 $0x5E0000, s26;
	s31 =	sor.u32 s3, s4;
	[dreg:$0xf] =	wrdreg s22  }
0x30: {  	s21 =	simm.s32 $0x400;
	s12 =	sor.u32 s3, s6;
	[dreg:$0x13] =	wrdreg s31  }
0x31: {  	s9 =	simm.s32 $0x1D428;
	s5 =	sor.u32 s3, s17;
	[dreg:$0xb] =	wrdreg s12  }
0x32: {  	s6 =	sand.u32 $0x3E0000, s18;
	s30 =	sor.u32 s3, s29;
	[dreg:$0xd] =	wrdreg s5  }
0x33: {  	s10 =	simm.s32 $0x1;
	s20 =	sor.u32 s3, s6;
	[dreg:$0x12] =	wrdreg s30  }
0x34: {  	s5 =	sor.u32 s3, s24;
	s6 =	sand.u32 $0x560000, s25;
	[dreg:$0xe] =	wrdreg s20  }
0x35: {  	s7 =	simm.s32 $0x1000;
	[dreg:$0x10] =	wrdreg s5;
	s28 =	sor.u32 s3, s6  }
0x36: {  	s17 =	simm.s32 $0x10428;
	s20 =	simm.s32 $0x80;
	[dreg:$0x11] =	wrdreg s28  }
.LBB2_1:
0x37: {  	[smem:$0x7FA] =	sst s1  }
0x38: {  	s0 =	rddreg [dreg:$0x15];
	s12 =	simm.s32 $0xF428  }
0x39: {  	[tilespmem:s12], [sflag:$0x3] =	stream.strided.gather [hbm4b:s0+s20], $0x1000, s21, s20, $0x38;
	[tilespmem:$0x1E428] =	vst v63  }
0x3a: {  	_ =	swait.ge [sflag:s23], $0x1000  }
0x3b: {  	[sflag:s23] =	ssyncset.done $0x0  }
0x3c: {  	s13 =	simm.s32 $0x10428;
	s26 =	rddreg [dreg:$0x16];
	[sflag:s23] =	ssyncadd.s32 $0xFFFFF000  }
0x3d: {  	[tilespmem:s13], [sflag:$0x3] =	stream.strided.gather [hbm4b:s26+s20], $0x1000, s21, s20, $0x38;
	[tilespmem:$0x1E428] =	vst v63  }
0x3e: {  	_ =	swait.ge [sflag:s23], $0x1000  }
0x3f: {  	[sflag:s23] =	ssyncset.done $0x0  }
0x40: {  	s25 =	simm.s32 $0x11428;
	s1 =	rddreg [dreg:$0x17];
	[sflag:s23] =	ssyncadd.s32 $0xFFFFF000  }
0x41: {  	[tilespmem:s25], [sflag:$0x3] =	stream.strided.gather [hbm4b:s1+s20], $0x1000, s21, s20, $0x38;
	[tilespmem:$0x1E428] =	vst v63  }
0x42: {  	_ =	swait.ge [sflag:s23], $0x1000  }
0x43: {  	[sflag:s23] =	ssyncset.done $0x0  }
0x44: {  	s26 =	simm.s32 $0x12428;
	s3 =	rddreg [dreg:$0x18];
	[sflag:s23] =	ssyncadd.s32 $0xFFFFF000  }
0x45: {  	[tilespmem:s26], [sflag:$0x3] =	stream.strided.gather [hbm4b:s3+s20], $0x1000, s21, s20, $0x38;
	[tilespmem:$0x1E428] =	vst v63  }
0x46: {  	_ =	swait.ge [sflag:s23], $0x1000  }
0x47: {  	[sflag:s23] =	ssyncset.done $0x0  }
0x48: {  	s28 =	simm.s32 $0x13428;
	s4 =	rddreg [dreg:$0x19];
	[sflag:s23] =	ssyncadd.s32 $0xFFFFF000  }
0x49: {  	[tilespmem:s28], [sflag:$0x3] =	stream.strided.gather [hbm4b:s4+s20], $0x1000, s21, s20, $0x38;
	[tilespmem:$0x1E428] =	vst v63  }
0x4a: {  	_ =	swait.ge [sflag:s23], $0x1000  }
0x4b: {  	[sflag:s23] =	ssyncset.done $0x0  }
0x4c: {  	s29 =	simm.s32 $0x14428;
	s5 =	rddreg [dreg:$0x1a];
	[sflag:s23] =	ssyncadd.s32 $0xFFFFF000  }
0x4d: {  	[tilespmem:s29], [sflag:$0x3] =	stream.strided.gather [hbm4b:s5+s20], $0x1000, s21, s20, $0x38;
	[tilespmem:$0x1E428] =	vst v63  }
0x4e: {  	_ =	swait.ge [sflag:s23], $0x1000  }
0x4f: {  	[sflag:s23] =	ssyncset.done $0x0  }
0x50: {  	s30 =	simm.s32 $0x15428;
	s6 =	rddreg [dreg:$0x1b];
	[sflag:s23] =	ssyncadd.s32 $0xFFFFF000  }
0x51: {  	[tilespmem:s30], [sflag:$0x3] =	stream.strided.gather [hbm4b:s6+s20], $0x1000, s21, s20, $0x38;
	[tilespmem:$0x1E428] =	vst v63  }
0x52: {  	_ =	swait.ge [sflag:s23], $0x1000  }
0x53: {  	[sflag:s23] =	ssyncset.done $0x0  }
0x54: {  	s31 =	simm.s32 $0x16428;
	s14 =	rddreg [dreg:$0x1c];
	[sflag:s23] =	ssyncadd.s32 $0xFFFFF000  }
0x55: {  	[tilespmem:s31], [sflag:$0x3] =	stream.strided.gather [hbm4b:s14+s20], $0x1000, s21, s20, $0x38;
	[tilespmem:$0x1E428] =	vst v63  }
0x56: {  	_ =	swait.ge [sflag:s23], $0x1000  }
0x57: {  	[sflag:s23] =	ssyncset.done $0x0  }
0x58: {  	s19 =	simm.s32 $0x17428;
	s18 =	rddreg [dreg:$0x1d];
	[sflag:s23] =	ssyncadd.s32 $0xFFFFF000  }
0x59: {  	[tilespmem:s19], [sflag:$0x3] =	stream.strided.gather [hbm4b:s18+s20], $0x1000, s21, s20, $0x38;
	[tilespmem:$0x1E428] =	vst v63  }
0x5a: {  	_ =	swait.ge [sflag:s23], $0x1000  }
0x5b: {  	[sflag:s23] =	ssyncset.done $0x0  }
0x5c: {  	s24 =	simm.s32 $0x18428;
	s22 =	rddreg [dreg:$0x1e];
	[sflag:s23] =	ssyncadd.s32 $0xFFFFF000  }
0x5d: {  	[tilespmem:s24], [sflag:$0x3] =	stream.strided.gather [hbm4b:s22+s20], $0x1000, s21, s20, $0x38;
	[tilespmem:$0x1E428] =	vst v63  }
0x5e: {  	_ =	swait.ge [sflag:s23], $0x1000  }
0x5f: {  	[sflag:s23] =	ssyncset.done $0x0  }
0x60: {  	s4 =	simm.s32 $0x19428;
	s3 =	rddreg [dreg:$0x1f];
	[sflag:s23] =	ssyncadd.s32 $0xFFFFF000  }
0x61: {  	[tilespmem:s4], [sflag:$0x3] =	stream.strided.gather [hbm4b:s3+s20], $0x1000, s21, s20, $0x38;
	[tilespmem:$0x1E428] =	vst v63  }
0x62: {  	_ =	swait.ge [sflag:s23], $0x1000  }
0x63: {  	s5 =	sld [smem:$0x7FB]  }
0x64: {  	[sflag:s23] =	ssyncset.done $0x0  }
0x65: {  	s6 =	simm.s32 $0x1A428;
	[sflag:s23] =	ssyncadd.s32 $0xFFFFF000  }
0x66: {  	[tilespmem:s6], [sflag:$0x3] =	stream.strided.gather [hbm4b:s5+s20], $0x1000, s21, s20, $0x38;
	[tilespmem:$0x1E428] =	vst v63  }
0x67: {  	_ =	swait.ge [sflag:s23], $0x1000  }
0x68: {  	s0 =	sld [smem:$0x7FC]  }
0x69: {  	s1 =	simm.s32 @!p1 $0x80;
	s14 =	simm.s32 @!p1 $0x3;
	[sflag:s23] =	ssyncset.done $0x0  }
0x6a: {  	s3 =	simm.s32 @!p1 $0x400;
	s4 =	simm.s32 @!p1 $0x1B428;
	[sflag:s23] =	ssyncadd.s32 $0xFFFFF000  }
0x6b: {  	[tilespmem:s4], [sflag:$0x3] =	stream.strided.gather @!p1 [hbm4b:s0+s1], $0x1000, s3, s1, $0x38;
	[tilespmem:$0x1E428] =	vst v63  }
0x6c: {  	_ =	swait.ge @!p1 [sflag:s14], $0x1000  }
0x6d: {  	s6 =	rddreg [dreg:$0x14]  }
0x6e: {  	s0 =	sshrl.u32 @!p0 s6, $0x3  }
0x6f: {  	s19 =	simm.s32 @!p0 $0x1C03;
	s5 =	simm.s32 $0x0;
	s0 =	smul.u32 @!p0 $0x7A1400, s0  }
0x70: {  	s18 =	sshrl.u32 @!p0 s2, $0x3;
	s22 =	simm.s32 @!p0 $0x80;
	s1 =	sand.u32 @!p0 $0x380, s5  }
0x71: {  	s24 =	simm.s32 @!p0 $0x1;
	s4 =	simm.s32 @!p0 $0x3;
	s0 =	sor.u32 @!p0 s1, s0  }
0x72: {  	[sflag:s14] =	ssyncset.done @!p1 $0x0;
	s3 =	rddreg [dreg:$0x5];
	s0 =	sshrl.u32 @!p0 s0, $0x3  }
0x73: {  	[sflag:s14] =	ssyncadd.s32 @!p1 $0xFFFFF000;
	s1 =	simm.s32 @!p0 $0x10;
	s0 =	sadd.s32 @!p0 s3, s0  }
0x74: {  	[spmem:s18@s1], [sflag:s19] =	dma.strided @!p0 [hbm:s0@s22], $0x1E850, s24, $0x10   }
0x75: {  	_ =	swait.ge @!p0 [sflag:s4], $0x1E850  }
0x76: {  	[sflag:s4] =	ssyncset.done @!p0 $0x0  }
0x77: {  	[sflag:s4] =	ssyncadd.s32 @!p0 $0xFFFE17B0  }
0x78: {  	[bflag:$0x0] =	sbarrier.arrive $0xFFFF  }
0x79: {  	[tilespmem:s8], [sflag:$0x1] =	stream.indirect.gather [spmem:s2], $0x1, s12, s7, $0xb8;
	[tilespmem:$0x1E428] =	vst v63  }
0x7a: {  	_ = 	snop  }
0x7b: {  	[tilespmem:s9], [sflag:$0x2] =	stream.indirect.gather [spmem:s2], $0x1, s13, s7, $0xb8;
	[tilespmem:$0x1E428] =	vst v63  }
0x7c: {  	_ =	swait.ge [sflag:s10], $0x1000  }
0x7d: {  	s12 =	rddreg [dreg:$0x7]  }
0x7e: {  	s0 =	sadd.s32 $0x0, s12  }
0x7f: {  	[sflag:s10] =	ssyncset.done $0x0;
	s13 =	sand.u32 $0x7C000, s0  }
0x80: {  	s0 =	sand.u32 $0x70, s5;
	s12 =	sor.u32 s13, s16;
	s13 =	rddreg [dreg:$0x2]  }
0x81: {  	s3 =	sadd.s32 s13, s0  }
0x82: {  	[sflag:s10] =	ssyncadd.s32 $0xFFFFF000;
	s5 =	sadd.s32 s12, s3  }
0x83: {  	[hbm4b:s5+s20] =	stream.strided.scatter [tilespmem:s8], [sflag:$0x3], $0x1000, s21, s20, $0x38;
	[tilespmem:$0x1E428] =	vst v63  }
0x84: {  	_ =	swait.ge [sflag:s23], $0x1000  }
0x85: {  	[sflag:s23] =	ssyncset.done $0x0  }
0x86: {  	[sflag:s23] =	ssyncadd.s32 $0xFFFFF000  }
0x87: {  	[tilespmem:s8], [sflag:$0x1] =	stream.indirect.gather [spmem:s2], $0x1, s25, s7, $0xb8;
	[tilespmem:$0x1E428] =	vst v63  }
0x88: {  	_ =	swait.ge [sflag:s11], $0x1000  }
0x89: {  	s25 =	rddreg [dreg:$0x8]  }
0x8a: {  	s5 =	sadd.s32 $0x0, s25  }
0x8b: {  	s5 =	sand.u32 $0xFC000, s5  }
0x8c: {  	[sflag:s11] =	ssyncset.done $0x0;
	s5 =	sor.u32 s5, s16  }
0x8d: {  	[sflag:s11] =	ssyncadd.s32 $0xFFFFF000;
	s5 =	sadd.s32 s5, s3  }
0x8e: {  	[hbm4b:s5+s20] =	stream.strided.scatter [tilespmem:s9], [sflag:$0x3], $0x1000, s21, s20, $0x38;
	[tilespmem:$0x1E428] =	vst v63  }
0x8f: {  	_ =	swait.ge [sflag:s23], $0x1000  }
0x90: {  	[sflag:s23] =	ssyncset.done $0x0  }
0x91: {  	[sflag:s23] =	ssyncadd.s32 $0xFFFFF000  }
0x92: {  	[tilespmem:s9], [sflag:$0x2] =	stream.indirect.gather [spmem:s2], $0x1, s26, s7, $0xb8;
	[tilespmem:$0x1E428] =	vst v63  }
0x93: {  	_ =	swait.ge [sflag:s10], $0x1000  }
0x94: {  	s12 =	rddreg [dreg:$0x9]  }
0x95: {  	s5 =	sadd.s32 $0x0, s12  }
0x96: {  	s5 =	sand.u32 $0x17C000, s5  }
0x97: {  	[sflag:s10] =	ssyncset.done $0x0;
	s5 =	sor.u32 s5, s16  }
0x98: {  	[sflag:s10] =	ssyncadd.s32 $0xFFFFF000;
	s5 =	sadd.s32 s5, s3  }
0x99: {  	[hbm4b:s5+s20] =	stream.strided.scatter [tilespmem:s8], [sflag:$0x3], $0x1000, s21, s20, $0x38;
	[tilespmem:$0x1E428] =	vst v63  }
0x9a: {  	_ =	swait.ge [sflag:s23], $0x1000  }
0x9b: {  	[sflag:s23] =	ssyncset.done $0x0  }
0x9c: {  	[sflag:s23] =	ssyncadd.s32 $0xFFFFF000  }
0x9d: {  	[tilespmem:s8], [sflag:$0x1] =	stream.indirect.gather [spmem:s2], $0x1, s28, s7, $0xb8;
	[tilespmem:$0x1E428] =	vst v63  }
0x9e: {  	_ =	swait.ge [sflag:s11], $0x1000  }
0x9f: {  	s13 =	rddreg [dreg:$0xa]  }
0xa0: {  	s5 =	sadd.s32 $0x0, s13  }
0xa1: {  	s5 =	sand.u32 $0x1FC000, s5  }
0xa2: {  	[sflag:s11] =	ssyncset.done $0x0;
	s5 =	sor.u32 s5, s16  }
0xa3: {  	[sflag:s11] =	ssyncadd.s32 $0xFFFFF000;
	s5 =	sadd.s32 s5, s3  }
0xa4: {  	[hbm4b:s5+s20] =	stream.strided.scatter [tilespmem:s9], [sflag:$0x3], $0x1000, s21, s20, $0x38;
	[tilespmem:$0x1E428] =	vst v63  }
0xa5: {  	_ =	swait.ge [sflag:s23], $0x1000  }
0xa6: {  	[sflag:s23] =	ssyncset.done $0x0  }
0xa7: {  	[sflag:s23] =	ssyncadd.s32 $0xFFFFF000  }
0xa8: {  	[tilespmem:s9], [sflag:$0x2] =	stream.indirect.gather [spmem:s2], $0x1, s29, s7, $0xb8;
	[tilespmem:$0x1E428] =	vst v63  }
0xa9: {  	_ =	swait.ge [sflag:s10], $0x1000  }
0xaa: {  	s25 =	rddreg [dreg:$0xb]  }
0xab: {  	s5 =	sadd.s32 $0x0, s25  }
0xac: {  	s5 =	sand.u32 $0x27C000, s5  }
0xad: {  	[sflag:s10] =	ssyncset.done $0x0;
	s5 =	sor.u32 s5, s16  }
0xae: {  	[sflag:s10] =	ssyncadd.s32 $0xFFFFF000;
	s5 =	sadd.s32 s5, s3  }
0xaf: {  	[hbm4b:s5+s20] =	stream.strided.scatter [tilespmem:s8], [sflag:$0x3], $0x1000, s21, s20, $0x38;
	[tilespmem:$0x1E428] =	vst v63  }
0xb0: {  	_ =	swait.ge [sflag:s23], $0x1000  }
0xb1: {  	[sflag:s23] =	ssyncset.done $0x0  }
0xb2: {  	[sflag:s23] =	ssyncadd.s32 $0xFFFFF000  }
0xb3: {  	[tilespmem:s8], [sflag:$0x1] =	stream.indirect.gather [spmem:s2], $0x1, s30, s7, $0xb8;
	[tilespmem:$0x1E428] =	vst v63  }
0xb4: {  	_ =	swait.ge [sflag:s11], $0x1000  }
0xb5: {  	s26 =	rddreg [dreg:$0xc]  }
0xb6: {  	s5 =	sadd.s32 $0x0, s26  }
0xb7: {  	s5 =	sand.u32 $0x2FC000, s5  }
0xb8: {  	[sflag:s11] =	ssyncset.done $0x0;
	s5 =	sor.u32 s5, s16  }
0xb9: {  	[sflag:s11] =	ssyncadd.s32 $0xFFFFF000;
	s5 =	sadd.s32 s5, s3  }
0xba: {  	[hbm4b:s5+s20] =	stream.strided.scatter [tilespmem:s9], [sflag:$0x3], $0x1000, s21, s20, $0x38;
	[tilespmem:$0x1E428] =	vst v63  }
0xbb: {  	_ =	swait.ge [sflag:s23], $0x1000  }
0xbc: {  	[sflag:s23] =	ssyncset.done $0x0  }
0xbd: {  	[sflag:s23] =	ssyncadd.s32 $0xFFFFF000  }
0xbe: {  	[tilespmem:s9], [sflag:$0x2] =	stream.indirect.gather [spmem:s2], $0x1, s31, s7, $0xb8;
	[tilespmem:$0x1E428] =	vst v63  }
0xbf: {  	_ =	swait.ge [sflag:s10], $0x1000  }
0xc0: {  	s12 =	rddreg [dreg:$0xd]  }
0xc1: {  	s5 =	sadd.s32 $0x0, s12  }
0xc2: {  	s5 =	sand.u32 $0x37C000, s5  }
0xc3: {  	[sflag:s10] =	ssyncset.done $0x0;
	s5 =	sor.u32 s5, s16  }
0xc4: {  	[sflag:s10] =	ssyncadd.s32 $0xFFFFF000;
	s5 =	sadd.s32 s5, s3  }
0xc5: {  	[hbm4b:s5+s20] =	stream.strided.scatter [tilespmem:s8], [sflag:$0x3], $0x1000, s21, s20, $0x38;
	[tilespmem:$0x1E428] =	vst v63  }
0xc6: {  	_ =	swait.ge [sflag:s23], $0x1000  }
0xc7: {  	[sflag:s23] =	ssyncset.done $0x0  }
0xc8: {  	s13 =	simm.s32 $0x17428;
	[sflag:s23] =	ssyncadd.s32 $0xFFFFF000  }
0xc9: {  	[tilespmem:s8], [sflag:$0x1] =	stream.indirect.gather [spmem:s2], $0x1, s13, s7, $0xb8;
	[tilespmem:$0x1E428] =	vst v63  }
0xca: {  	_ =	swait.ge [sflag:s11], $0x1000  }
0xcb: {  	s25 =	rddreg [dreg:$0xe]  }
0xcc: {  	s5 =	sadd.s32 $0x0, s25  }
0xcd: {  	s5 =	sand.u32 $0x3FC000, s5  }
0xce: {  	[sflag:s11] =	ssyncset.done $0x0;
	s5 =	sor.u32 s5, s16  }
0xcf: {  	[sflag:s11] =	ssyncadd.s32 $0xFFFFF000;
	s5 =	sadd.s32 s5, s3  }
0xd0: {  	[hbm4b:s5+s20] =	stream.strided.scatter [tilespmem:s9], [sflag:$0x3], $0x1000, s21, s20, $0x38;
	[tilespmem:$0x1E428] =	vst v63  }
0xd1: {  	_ =	swait.ge [sflag:s23], $0x1000  }
0xd2: {  	[sflag:s23] =	ssyncset.done $0x0  }
0xd3: {  	s26 =	simm.s32 $0x18428;
	[sflag:s23] =	ssyncadd.s32 $0xFFFFF000  }
0xd4: {  	[tilespmem:s9], [sflag:$0x2] =	stream.indirect.gather [spmem:s2], $0x1, s26, s7, $0xb8;
	[tilespmem:$0x1E428] =	vst v63  }
0xd5: {  	_ =	swait.ge [sflag:s10], $0x1000  }
0xd6: {  	s12 =	rddreg [dreg:$0xf]  }
0xd7: {  	s5 =	sadd.s32 $0x0, s12  }
0xd8: {  	s5 =	sand.u32 $0x47C000, s5  }
0xd9: {  	[sflag:s10] =	ssyncset.done $0x0;
	s5 =	sor.u32 s5, s16  }
0xda: {  	[sflag:s10] =	ssyncadd.s32 $0xFFFFF000;
	s5 =	sadd.s32 s5, s3  }
0xdb: {  	[hbm4b:s5+s20] =	stream.strided.scatter [tilespmem:s8], [sflag:$0x3], $0x1000, s21, s20, $0x38;
	[tilespmem:$0x1E428] =	vst v63  }
0xdc: {  	_ =	swait.ge [sflag:s23], $0x1000  }
0xdd: {  	[sflag:s23] =	ssyncset.done $0x0  }
0xde: {  	s13 =	simm.s32 $0x19428;
	[sflag:s23] =	ssyncadd.s32 $0xFFFFF000  }
0xdf: {  	[tilespmem:s8], [sflag:$0x1] =	stream.indirect.gather [spmem:s2], $0x1, s13, s7, $0xb8;
	[tilespmem:$0x1E428] =	vst v63  }
0xe0: {  	_ =	swait.ge [sflag:s11], $0x1000  }
0xe1: {  	s25 =	rddreg [dreg:$0x10]  }
0xe2: {  	s5 =	sadd.s32 $0x0, s25  }
0xe3: {  	s5 =	sand.u32 $0x4FC000, s5  }
0xe4: {  	[sflag:s11] =	ssyncset.done $0x0;
	s5 =	sor.u32 s5, s16  }
0xe5: {  	[sflag:s11] =	ssyncadd.s32 $0xFFFFF000;
	s5 =	sadd.s32 s5, s3  }
0xe6: {  	[hbm4b:s5+s20] =	stream.strided.scatter [tilespmem:s9], [sflag:$0x3], $0x1000, s21, s20, $0x38;
	[tilespmem:$0x1E428] =	vst v63  }
0xe7: {  	_ =	swait.ge [sflag:s23], $0x1000  }
0xe8: {  	[sflag:s23] =	ssyncset.done $0x0  }
0xe9: {  	s26 =	simm.s32 $0x1A428;
	[sflag:s23] =	ssyncadd.s32 $0xFFFFF000  }
0xea: {  	[tilespmem:s9], [sflag:$0x2] =	stream.indirect.gather [spmem:s2], $0x1, s26, s7, $0xb8;
	[tilespmem:$0x1E428] =	vst v63  }
0xeb: {  	_ =	swait.ge [sflag:s10], $0x1000  }
0xec: {  	s12 =	rddreg [dreg:$0x11]  }
0xed: {  	s5 =	sadd.s32 $0x0, s12  }
0xee: {  	s5 =	sand.u32 $0x57C000, s5  }
0xef: {  	[sflag:s10] =	ssyncset.done $0x0;
	s5 =	sor.u32 s5, s16  }
0xf0: {  	[sflag:s10] =	ssyncadd.s32 $0xFFFFF000;
	s5 =	sadd.s32 s5, s3  }
0xf1: {  	[hbm4b:s5+s20] =	stream.strided.scatter [tilespmem:s8], [sflag:$0x3], $0x1000, s21, s20, $0x38;
	[tilespmem:$0x1E428] =	vst v63  }
0xf2: {  	_ =	swait.ge [sflag:s23], $0x1000  }
0xf3: {  	s25 =	simm.s32 @!p1 $0x1000;
	[sflag:s23] =	ssyncset.done $0x0  }
0xf4: {  	s26 =	simm.s32 @!p1 $0x1C428;
	s5 =	simm.s32 @!p1 $0x1B428;
	[sflag:s23] =	ssyncadd.s32 $0xFFFFF000  }
0xf5: {  	[tilespmem:s26], [sflag:$0x1] =	stream.indirect.gather @!p1 [spmem:s2], $0x1, s5, s25, $0xb8;
	[tilespmem:$0x1E428] =	vst v63  }
0xf6: {  	_ =	swait.ge [sflag:s11], $0x1000  }
0xf7: {  	s13 =	rddreg [dreg:$0x12]  }
0xf8: {  	s5 =	sadd.s32 $0x0, s13  }
0xf9: {  	s5 =	sand.u32 $0x5FC000, s5  }
0xfa: {  	[sflag:s11] =	ssyncset.done $0x0;
	s5 =	sor.u32 s5, s16  }
0xfb: {  	[sflag:s11] =	ssyncadd.s32 $0xFFFFF000;
	s3 =	sadd.s32 s5, s3  }
0xfc: {  	[hbm4b:s3+s20] =	stream.strided.scatter [tilespmem:s9], [sflag:$0x3], $0x1000, s21, s20, $0x38;
	[tilespmem:$0x1E428] =	vst v63  }
0xfd: {  	_ =	swait.ge [sflag:s23], $0x1000  }
0xfe: {  	[sflag:s23] =	ssyncset.done $0x0  }
0xff: {  	s29 =	simm.s32 @!p1 $0x1;
	[sflag:s23] =	ssyncadd.s32 $0xFFFFF000  }
0x100: {  	_ =	swait.ge @!p1 [sflag:s29], $0x1000  }
0x101: {  	s3 =	rddreg [dreg:$0x13]  }
0x102: {  	s5 =	rddreg [dreg:$0x6];
	[sflag:s29] =	ssyncset.done @!p1 $0x0;
	s3 =	sadd.s32 @!p1 $0x0, s3  }
0x103: {  	s0 =	sadd.s32 @!p1 s0, s5;
	[sflag:s29] =	ssyncadd.s32 @!p1 $0xFFFFF000;
	s3 =	sand.u32 @!p1 $0x3C000, s3  }
0x104: {  	s5 =	simm.s32 @!p1 $0x80;
	s0 =	sadd.s32 @!p1 s3, s0;
	s3 =	simm.s32 @!p1 $0x400  }
0x105: {  	[hbm4b:s0+s5] =	stream.strided.scatter @!p1 [tilespmem:s26], [sflag:$0x3], $0x1000, s3, s5, $0x38;
	[tilespmem:$0x1E428] =	vst v63  }
0x106: {  	s28 =	simm.s32 $0x10;
	s30 =	simm.s32 $0x80;
	_ =	swait.ge @!p1 [sflag:s14], $0x1000  }
0x107: {  	s31 =	simm.s32 $0x1000;
	s0 =	sadd.s32 $0x1, s6;
	[sflag:s14] =	ssyncset.done @!p1 $0x0  }
0x108: {  	s12 =	simm.s32 $0x800;
	s3 =	sshrl.u32 @!p0 s0, $0x3;
	[sflag:s14] =	ssyncadd.s32 @!p1 $0xFFFFF000  }
.LBB2_2:
0x109: {  	s5 =	smul.u32 @!p0 $0x7A1400, s3  }
0x10a: {  	s6 =	sand.u32 @!p0 $0x380, s30  }
0x10b: {  	[bflag:$0x0] =	sbarrier.arrive $0xFFFF;
	s5 =	sor.u32 @!p0 s6, s5  }
0x10c: {  	s13 =	rddreg [dreg:$0x5];
	s5 =	sshrl.u32 @!p0 s5, $0x3  }
0x10d: {  	s5 =	sadd.s32 @!p0 s13, s5  }
0x10e: {  	[spmem:s18@s1], [sflag:s19] =	dma.strided @!p0 [hbm:s5@s22], $0x1E850, s24, $0x10   }
0x10f: {  	_ =	swait.ge @!p0 [sflag:s4], $0x1E850  }
0x110: {  	[sflag:s4] =	ssyncset.done @!p0 $0x0  }
0x111: {  	[sflag:s4] =	ssyncadd.s32 @!p0 $0xFFFE17B0  }
0x112: {  	[bflag:$0x0] =	sbarrier.arrive $0xFFFF  }
0x113: {  	[tilespmem:s8], [sflag:$0x1] =	stream.indirect.gather [spmem:s2], $0x1, s15, s7, $0xb8;
	[tilespmem:$0x1E428] =	vst v63  }
0x114: {  	_ = 	snop  }
0x115: {  	[tilespmem:s9], [sflag:$0x2] =	stream.indirect.gather [spmem:s2], $0x1, s17, s7, $0xb8;
	[tilespmem:$0x1E428] =	vst v63  }
0x116: {  	_ =	swait.ge [sflag:s10], $0x1000  }
0x117: {  	s6 =	rddreg [dreg:$0x7]  }
0x118: {  	[sflag:s10] =	ssyncset.done $0x0;
	s5 =	sadd.s32 s12, s6  }
0x119: {  	s6 =	rddreg [dreg:$0x2];
	s13 =	sand.u32 $0x7C000, s5;
	s5 =	sand.u32 $0x70, s28  }
0x11a: {  	s13 =	sor.u32 s13, s16;
	s6 =	sadd.s32 s6, s5  }
0x11b: {  	[sflag:s10] =	ssyncadd.s32 $0xFFFFF000;
	s13 =	sadd.s32 s13, s6  }
0x11c: {  	[hbm4b:s13+s20] =	stream.strided.scatter [tilespmem:s8], [sflag:$0x3], $0x1000, s21, s20, $0x38;
	[tilespmem:$0x1E428] =	vst v63  }
0x11d: {  	_ =	swait.ge [sflag:s23], $0x1000  }
0x11e: {  	[sflag:s23] =	ssyncset.done $0x0  }
0x11f: {  	s13 =	simm.s32 $0x11428;
	[sflag:s23] =	ssyncadd.s32 $0xFFFFF000  }
0x120: {  	[tilespmem:s8], [sflag:$0x1] =	stream.indirect.gather [spmem:s2], $0x1, s13, s7, $0xb8;
	[tilespmem:$0x1E428] =	vst v63  }
0x121: {  	_ =	swait.ge [sflag:s11], $0x1000  }
0x122: {  	s13 =	rddreg [dreg:$0x8]  }
0x123: {  	s13 =	sadd.s32 s12, s13  }
0x124: {  	s13 =	sand.u32 $0xFC000, s13  }
0x125: {  	[sflag:s11] =	ssyncset.done $0x0;
	s13 =	sor.u32 s13, s16  }
0x126: {  	[sflag:s11] =	ssyncadd.s32 $0xFFFFF000;
	s13 =	sadd.s32 s13, s6  }
0x127: {  	[hbm4b:s13+s20] =	stream.strided.scatter [tilespmem:s9], [sflag:$0x3], $0x1000, s21, s20, $0x38;
	[tilespmem:$0x1E428] =	vst v63  }
0x128: {  	_ =	swait.ge [sflag:s23], $0x1000  }
0x129: {  	[sflag:s23] =	ssyncset.done $0x0  }
0x12a: {  	s13 =	simm.s32 $0x12428;
	[sflag:s23] =	ssyncadd.s32 $0xFFFFF000  }
0x12b: {  	[tilespmem:s9], [sflag:$0x2] =	stream.indirect.gather [spmem:s2], $0x1, s13, s7, $0xb8;
	[tilespmem:$0x1E428] =	vst v63  }
0x12c: {  	_ =	swait.ge [sflag:s10], $0x1000  }
0x12d: {  	s13 =	rddreg [dreg:$0x9]  }
0x12e: {  	s13 =	sadd.s32 s12, s13  }
0x12f: {  	s13 =	sand.u32 $0x17C000, s13  }
0x130: {  	[sflag:s10] =	ssyncset.done $0x0;
	s13 =	sor.u32 s13, s16  }
0x131: {  	[sflag:s10] =	ssyncadd.s32 $0xFFFFF000;
	s13 =	sadd.s32 s13, s6  }
0x132: {  	[hbm4b:s13+s20] =	stream.strided.scatter [tilespmem:s8], [sflag:$0x3], $0x1000, s21, s20, $0x38;
	[tilespmem:$0x1E428] =	vst v63  }
0x133: {  	_ =	swait.ge [sflag:s23], $0x1000  }
0x134: {  	[sflag:s23] =	ssyncset.done $0x0  }
0x135: {  	s13 =	simm.s32 $0x13428;
	[sflag:s23] =	ssyncadd.s32 $0xFFFFF000  }
0x136: {  	[tilespmem:s8], [sflag:$0x1] =	stream.indirect.gather [spmem:s2], $0x1, s13, s7, $0xb8;
	[tilespmem:$0x1E428] =	vst v63  }
0x137: {  	_ =	swait.ge [sflag:s11], $0x1000  }
0x138: {  	s13 =	rddreg [dreg:$0xa]  }
0x139: {  	s13 =	sadd.s32 s12, s13  }
0x13a: {  	s13 =	sand.u32 $0x1FC000, s13  }
0x13b: {  	[sflag:s11] =	ssyncset.done $0x0;
	s13 =	sor.u32 s13, s16  }
0x13c: {  	[sflag:s11] =	ssyncadd.s32 $0xFFFFF000;
	s13 =	sadd.s32 s13, s6  }
0x13d: {  	[hbm4b:s13+s20] =	stream.strided.scatter [tilespmem:s9], [sflag:$0x3], $0x1000, s21, s20, $0x38;
	[tilespmem:$0x1E428] =	vst v63  }
0x13e: {  	_ =	swait.ge [sflag:s23], $0x1000  }
0x13f: {  	[sflag:s23] =	ssyncset.done $0x0  }
0x140: {  	s13 =	simm.s32 $0x14428;
	[sflag:s23] =	ssyncadd.s32 $0xFFFFF000  }
0x141: {  	[tilespmem:s9], [sflag:$0x2] =	stream.indirect.gather [spmem:s2], $0x1, s13, s7, $0xb8;
	[tilespmem:$0x1E428] =	vst v63  }
0x142: {  	_ =	swait.ge [sflag:s10], $0x1000  }
0x143: {  	s13 =	rddreg [dreg:$0xb]  }
0x144: {  	s13 =	sadd.s32 s12, s13  }
0x145: {  	s13 =	sand.u32 $0x27C000, s13  }
0x146: {  	[sflag:s10] =	ssyncset.done $0x0;
	s13 =	sor.u32 s13, s16  }
0x147: {  	[sflag:s10] =	ssyncadd.s32 $0xFFFFF000;
	s13 =	sadd.s32 s13, s6  }
0x148: {  	[hbm4b:s13+s20] =	stream.strided.scatter [tilespmem:s8], [sflag:$0x3], $0x1000, s21, s20, $0x38;
	[tilespmem:$0x1E428] =	vst v63  }
0x149: {  	_ =	swait.ge [sflag:s23], $0x1000  }
0x14a: {  	[sflag:s23] =	ssyncset.done $0x0  }
0x14b: {  	s13 =	simm.s32 $0x15428;
	[sflag:s23] =	ssyncadd.s32 $0xFFFFF000  }
0x14c: {  	[tilespmem:s8], [sflag:$0x1] =	stream.indirect.gather [spmem:s2], $0x1, s13, s7, $0xb8;
	[tilespmem:$0x1E428] =	vst v63  }
0x14d: {  	_ =	swait.ge [sflag:s11], $0x1000  }
0x14e: {  	s13 =	rddreg [dreg:$0xc]  }
0x14f: {  	s13 =	sadd.s32 s12, s13  }
0x150: {  	s13 =	sand.u32 $0x2FC000, s13  }
0x151: {  	[sflag:s11] =	ssyncset.done $0x0;
	s13 =	sor.u32 s13, s16  }
0x152: {  	[sflag:s11] =	ssyncadd.s32 $0xFFFFF000;
	s13 =	sadd.s32 s13, s6  }
0x153: {  	[hbm4b:s13+s20] =	stream.strided.scatter [tilespmem:s9], [sflag:$0x3], $0x1000, s21, s20, $0x38;
	[tilespmem:$0x1E428] =	vst v63  }
0x154: {  	_ =	swait.ge [sflag:s23], $0x1000  }
0x155: {  	[sflag:s23] =	ssyncset.done $0x0  }
0x156: {  	s13 =	simm.s32 $0x16428;
	[sflag:s23] =	ssyncadd.s32 $0xFFFFF000  }
0x157: {  	[tilespmem:s9], [sflag:$0x2] =	stream.indirect.gather [spmem:s2], $0x1, s13, s7, $0xb8;
	[tilespmem:$0x1E428] =	vst v63  }
0x158: {  	_ =	swait.ge [sflag:s10], $0x1000  }
0x159: {  	s13 =	rddreg [dreg:$0xd]  }
0x15a: {  	s13 =	sadd.s32 s12, s13  }
0x15b: {  	s13 =	sand.u32 $0x37C000, s13  }
0x15c: {  	[sflag:s10] =	ssyncset.done $0x0;
	s13 =	sor.u32 s13, s16  }
0x15d: {  	[sflag:s10] =	ssyncadd.s32 $0xFFFFF000;
	s13 =	sadd.s32 s13, s6  }
0x15e: {  	[hbm4b:s13+s20] =	stream.strided.scatter [tilespmem:s8], [sflag:$0x3], $0x1000, s21, s20, $0x38;
	[tilespmem:$0x1E428] =	vst v63  }
0x15f: {  	_ =	swait.ge [sflag:s23], $0x1000  }
0x160: {  	[sflag:s23] =	ssyncset.done $0x0  }
0x161: {  	s13 =	simm.s32 $0x17428;
	[sflag:s23] =	ssyncadd.s32 $0xFFFFF000  }
0x162: {  	[tilespmem:s8], [sflag:$0x1] =	stream.indirect.gather [spmem:s2], $0x1, s13, s7, $0xb8;
	[tilespmem:$0x1E428] =	vst v63  }
0x163: {  	_ =	swait.ge [sflag:s11], $0x1000  }
0x164: {  	s13 =	rddreg [dreg:$0xe]  }
0x165: {  	s13 =	sadd.s32 s12, s13  }
0x166: {  	s13 =	sand.u32 $0x3FC000, s13  }
0x167: {  	[sflag:s11] =	ssyncset.done $0x0;
	s13 =	sor.u32 s13, s16  }
0x168: {  	[sflag:s11] =	ssyncadd.s32 $0xFFFFF000;
	s13 =	sadd.s32 s13, s6  }
0x169: {  	[hbm4b:s13+s20] =	stream.strided.scatter [tilespmem:s9], [sflag:$0x3], $0x1000, s21, s20, $0x38;
	[tilespmem:$0x1E428] =	vst v63  }
0x16a: {  	_ =	swait.ge [sflag:s23], $0x1000  }
0x16b: {  	[sflag:s23] =	ssyncset.done $0x0  }
0x16c: {  	s13 =	simm.s32 $0x18428;
	[sflag:s23] =	ssyncadd.s32 $0xFFFFF000  }
0x16d: {  	[tilespmem:s9], [sflag:$0x2] =	stream.indirect.gather [spmem:s2], $0x1, s13, s7, $0xb8;
	[tilespmem:$0x1E428] =	vst v63  }
0x16e: {  	_ =	swait.ge [sflag:s10], $0x1000  }
0x16f: {  	s13 =	rddreg [dreg:$0xf]  }
0x170: {  	s13 =	sadd.s32 s12, s13  }
0x171: {  	s13 =	sand.u32 $0x47C000, s13  }
0x172: {  	[sflag:s10] =	ssyncset.done $0x0;
	s13 =	sor.u32 s13, s16  }
0x173: {  	[sflag:s10] =	ssyncadd.s32 $0xFFFFF000;
	s13 =	sadd.s32 s13, s6  }
0x174: {  	[hbm4b:s13+s20] =	stream.strided.scatter [tilespmem:s8], [sflag:$0x3], $0x1000, s21, s20, $0x38;
	[tilespmem:$0x1E428] =	vst v63  }
0x175: {  	_ =	swait.ge [sflag:s23], $0x1000  }
0x176: {  	[sflag:s23] =	ssyncset.done $0x0  }
0x177: {  	s13 =	simm.s32 $0x19428;
	[sflag:s23] =	ssyncadd.s32 $0xFFFFF000  }
0x178: {  	[tilespmem:s8], [sflag:$0x1] =	stream.indirect.gather [spmem:s2], $0x1, s13, s7, $0xb8;
	[tilespmem:$0x1E428] =	vst v63  }
0x179: {  	_ =	swait.ge [sflag:s11], $0x1000  }
0x17a: {  	s13 =	rddreg [dreg:$0x10]  }
0x17b: {  	s13 =	sadd.s32 s12, s13  }
0x17c: {  	s13 =	sand.u32 $0x4FC000, s13  }
0x17d: {  	[sflag:s11] =	ssyncset.done $0x0;
	s13 =	sor.u32 s13, s16  }
0x17e: {  	[sflag:s11] =	ssyncadd.s32 $0xFFFFF000;
	s13 =	sadd.s32 s13, s6  }
0x17f: {  	[hbm4b:s13+s20] =	stream.strided.scatter [tilespmem:s9], [sflag:$0x3], $0x1000, s21, s20, $0x38;
	[tilespmem:$0x1E428] =	vst v63  }
0x180: {  	_ =	swait.ge [sflag:s23], $0x1000  }
0x181: {  	[sflag:s23] =	ssyncset.done $0x0  }
0x182: {  	s13 =	simm.s32 $0x1A428;
	[sflag:s23] =	ssyncadd.s32 $0xFFFFF000  }
0x183: {  	[tilespmem:s9], [sflag:$0x2] =	stream.indirect.gather [spmem:s2], $0x1, s13, s7, $0xb8;
	[tilespmem:$0x1E428] =	vst v63  }
0x184: {  	_ =	swait.ge [sflag:s10], $0x1000  }
0x185: {  	s13 =	rddreg [dreg:$0x11]  }
0x186: {  	s13 =	sadd.s32 s12, s13  }
0x187: {  	s13 =	sand.u32 $0x57C000, s13  }
0x188: {  	[sflag:s10] =	ssyncset.done $0x0;
	s13 =	sor.u32 s13, s16  }
0x189: {  	[sflag:s10] =	ssyncadd.s32 $0xFFFFF000;
	s13 =	sadd.s32 s13, s6  }
0x18a: {  	[hbm4b:s13+s20] =	stream.strided.scatter [tilespmem:s8], [sflag:$0x3], $0x1000, s21, s20, $0x38;
	[tilespmem:$0x1E428] =	vst v63  }
0x18b: {  	_ =	swait.ge [sflag:s23], $0x1000  }
0x18c: {  	[sflag:s23] =	ssyncset.done $0x0  }
0x18d: {  	s13 =	simm.s32 @!p1 $0x1B428;
	[sflag:s23] =	ssyncadd.s32 $0xFFFFF000  }
0x18e: {  	[tilespmem:s26], [sflag:$0x1] =	stream.indirect.gather @!p1 [spmem:s2], $0x1, s13, s25, $0xb8;
	[tilespmem:$0x1E428] =	vst v63  }
0x18f: {  	_ =	swait.ge [sflag:s11], $0x1000  }
0x190: {  	s13 =	rddreg [dreg:$0x12]  }
0x191: {  	s13 =	sadd.s32 s12, s13  }
0x192: {  	s13 =	sand.u32 $0x5FC000, s13  }
0x193: {  	[sflag:s11] =	ssyncset.done $0x0;
	s13 =	sor.u32 s13, s16  }
0x194: {  	[sflag:s11] =	ssyncadd.s32 $0xFFFFF000;
	s6 =	sadd.s32 s13, s6  }
0x195: {  	[hbm4b:s6+s20] =	stream.strided.scatter [tilespmem:s9], [sflag:$0x3], $0x1000, s21, s20, $0x38;
	[tilespmem:$0x1E428] =	vst v63  }
0x196: {  	_ =	swait.ge [sflag:s23], $0x1000  }
0x197: {  	[sflag:s23] =	ssyncset.done $0x0  }
0x198: {  	[sflag:s23] =	ssyncadd.s32 $0xFFFFF000  }
0x199: {  	_ =	swait.ge @!p1 [sflag:s29], $0x1000  }
0x19a: {  	s3 =	smov.u32 s31;
	s31 =	sadd.s32 $0x800, s31;
	s6 =	rddreg [dreg:$0x13]  }
0x19b: {  	p2 =	sne.s32 s31, $0x10000;
	s13 =	rddreg [dreg:$0x6];
	[sflag:s29] =	ssyncset.done @!p1 $0x0  }
0x19c: {  	s6 =	sadd.s32 @!p1 s12, s6;
	s12 =	smov.u32 s3;
	s5 =	sadd.s32 @!p1 s5, s13  }
0x19d: {  	[sflag:s29] =	ssyncadd.s32 @!p1 $0xFFFFF000;
	s3 =	sand.u32 @!p1 $0x3C000, s6;
	s6 =	simm.s32 @!p1 $0x400  }
.Ltmp0:
0x19e: {  	s3 =	sadd.s32 @!p1 s3, s5;
	s5 =	simm.s32 @!p1 $0x80;
	(pc) =	sbr.rel @p2 .LBB2_2-.Ltmp0, $4  }
0x19f: {  	[hbm4b:s3+s5] =	stream.strided.scatter @!p1 [tilespmem:s26], [sflag:$0x3], $0x1000, s6, s5, $0x38;
	[tilespmem:$0x1E428] =	vst v63  }
0x1a0: {  	_ =	swait.ge @!p1 [sflag:s14], $0x1000  }
0x1a1: {  	s30 =	sadd.s32 $0x80, s30;
	s0 =	sadd.s32 $0x1, s0;
	[sflag:s14] =	ssyncset.done @!p1 $0x0  }
0x1a2: {  	s28 =	sadd.s32 $0x10, s28;
	s3 =	sshrl.u32 @!p0 s0, $0x3;
	[sflag:s14] =	ssyncadd.s32 @!p1 $0xFFFFF000  }
0x1a3: {  	s0 =	smul.u32 @!p0 $0x7A1400, s3  }
0x1a4: {  	s1 =	sand.u32 @!p0 $0x380, s30  }
0x1a5: {  	[bflag:$0x0] =	sbarrier.arrive $0xFFFF;
	s4 =	simm.s32 @!p0 $0x10;
	s0 =	sor.u32 @!p0 s1, s0  }
0x1a6: {  	s5 =	simm.s32 @!p0 $0x80;
	s3 =	rddreg [dreg:$0x5];
	s0 =	sshrl.u32 @!p0 s0, $0x3  }
0x1a7: {  	s1 =	simm.s32 @!p0 $0x1C03;
	s0 =	sadd.s32 @!p0 s3, s0;
	s3 =	simm.s32 @!p0 $0x1  }
0x1a8: {  	[spmem:s18@s4], [sflag:s1] =	dma.strided @!p0 [hbm:s0@s5], $0x1E850, s3, $0x10   }
0x1a9: {  	s0 =	simm.s32 @!p0 $0x3  }
0x1aa: {  	_ =	swait.ge @!p0 [sflag:s0], $0x1E850  }
0x1ab: {  	[sflag:s0] =	ssyncset.done @!p0 $0x0  }
0x1ac: {  	[sflag:s0] =	ssyncadd.s32 @!p0 $0xFFFE17B0  }
0x1ad: {  	[bflag:$0x0] =	sbarrier.arrive $0xFFFF  }
0x1ae: {  	[tilespmem:s8], [sflag:$0x1] =	stream.indirect.gather [spmem:s2], $0x1, s15, s7, $0xb8;
	[tilespmem:$0x1E428] =	vst v63  }
0x1af: {  	_ = 	snop  }
0x1b0: {  	[tilespmem:s9], [sflag:$0x2] =	stream.indirect.gather [spmem:s2], $0x1, s17, s7, $0xb8;
	[tilespmem:$0x1E428] =	vst v63  }
0x1b1: {  	_ =	swait.ge [sflag:s10], $0x1000  }
0x1b2: {  	s5 =	rddreg [dreg:$0x7]  }
0x1b3: {  	[sflag:s10] =	ssyncset.done $0x0;
	s0 =	sadd.s32 s12, s5  }
0x1b4: {  	s18 =	rddreg [dreg:$0x2];
	s6 =	sand.u32 $0x7C000, s0;
	s0 =	sand.u32 $0x70, s28  }
0x1b5: {  	s13 =	sor.u32 s6, s16;
	s1 =	sadd.s32 s18, s0  }
0x1b6: {  	[sflag:s10] =	ssyncadd.s32 $0xFFFFF000;
	s3 =	sadd.s32 s13, s1  }
0x1b7: {  	[hbm4b:s3+s20] =	stream.strided.scatter [tilespmem:s8], [sflag:$0x3], $0x1000, s21, s20, $0x38;
	[tilespmem:$0x1E428] =	vst v63  }
0x1b8: {  	_ =	swait.ge [sflag:s23], $0x1000  }
0x1b9: {  	[sflag:s23] =	ssyncset.done $0x0  }
0x1ba: {  	s19 =	simm.s32 $0x11428;
	[sflag:s23] =	ssyncadd.s32 $0xFFFFF000  }
0x1bb: {  	[tilespmem:s8], [sflag:$0x1] =	stream.indirect.gather [spmem:s2], $0x1, s19, s7, $0xb8;
	[tilespmem:$0x1E428] =	vst v63  }
0x1bc: {  	_ =	swait.ge [sflag:s11], $0x1000  }
0x1bd: {  	s22 =	rddreg [dreg:$0x8]  }
0x1be: {  	s3 =	sadd.s32 s12, s22  }
0x1bf: {  	s3 =	sand.u32 $0xFC000, s3  }
0x1c0: {  	[sflag:s11] =	ssyncset.done $0x0;
	s3 =	sor.u32 s3, s16  }
0x1c1: {  	[sflag:s11] =	ssyncadd.s32 $0xFFFFF000;
	s3 =	sadd.s32 s3, s1  }
0x1c2: {  	[hbm4b:s3+s20] =	stream.strided.scatter [tilespmem:s9], [sflag:$0x3], $0x1000, s21, s20, $0x38;
	[tilespmem:$0x1E428] =	vst v63  }
0x1c3: {  	_ =	swait.ge [sflag:s23], $0x1000  }
0x1c4: {  	[sflag:s23] =	ssyncset.done $0x0  }
0x1c5: {  	s24 =	simm.s32 $0x12428;
	[sflag:s23] =	ssyncadd.s32 $0xFFFFF000  }
0x1c6: {  	[tilespmem:s9], [sflag:$0x2] =	stream.indirect.gather [spmem:s2], $0x1, s24, s7, $0xb8;
	[tilespmem:$0x1E428] =	vst v63  }
0x1c7: {  	_ =	swait.ge [sflag:s10], $0x1000  }
0x1c8: {  	s25 =	rddreg [dreg:$0x9]  }
0x1c9: {  	s3 =	sadd.s32 s12, s25  }
0x1ca: {  	s3 =	sand.u32 $0x17C000, s3  }
0x1cb: {  	[sflag:s10] =	ssyncset.done $0x0;
	s3 =	sor.u32 s3, s16  }
0x1cc: {  	[sflag:s10] =	ssyncadd.s32 $0xFFFFF000;
	s3 =	sadd.s32 s3, s1  }
0x1cd: {  	[hbm4b:s3+s20] =	stream.strided.scatter [tilespmem:s8], [sflag:$0x3], $0x1000, s21, s20, $0x38;
	[tilespmem:$0x1E428] =	vst v63  }
0x1ce: {  	_ =	swait.ge [sflag:s23], $0x1000  }
0x1cf: {  	[sflag:s23] =	ssyncset.done $0x0  }
0x1d0: {  	s26 =	simm.s32 $0x13428;
	[sflag:s23] =	ssyncadd.s32 $0xFFFFF000  }
0x1d1: {  	[tilespmem:s8], [sflag:$0x1] =	stream.indirect.gather [spmem:s2], $0x1, s26, s7, $0xb8;
	[tilespmem:$0x1E428] =	vst v63  }
0x1d2: {  	_ =	swait.ge [sflag:s11], $0x1000  }
0x1d3: {  	s28 =	rddreg [dreg:$0xa]  }
0x1d4: {  	s3 =	sadd.s32 s12, s28  }
0x1d5: {  	s3 =	sand.u32 $0x1FC000, s3  }
0x1d6: {  	[sflag:s11] =	ssyncset.done $0x0;
	s3 =	sor.u32 s3, s16  }
0x1d7: {  	[sflag:s11] =	ssyncadd.s32 $0xFFFFF000;
	s3 =	sadd.s32 s3, s1  }
0x1d8: {  	[hbm4b:s3+s20] =	stream.strided.scatter [tilespmem:s9], [sflag:$0x3], $0x1000, s21, s20, $0x38;
	[tilespmem:$0x1E428] =	vst v63  }
0x1d9: {  	_ =	swait.ge [sflag:s23], $0x1000  }
0x1da: {  	[sflag:s23] =	ssyncset.done $0x0  }
0x1db: {  	s29 =	simm.s32 $0x14428;
	[sflag:s23] =	ssyncadd.s32 $0xFFFFF000  }
0x1dc: {  	[tilespmem:s9], [sflag:$0x2] =	stream.indirect.gather [spmem:s2], $0x1, s29, s7, $0xb8;
	[tilespmem:$0x1E428] =	vst v63  }
0x1dd: {  	_ =	swait.ge [sflag:s10], $0x1000  }
0x1de: {  	s30 =	rddreg [dreg:$0xb]  }
0x1df: {  	s3 =	sadd.s32 s12, s30  }
0x1e0: {  	s3 =	sand.u32 $0x27C000, s3  }
0x1e1: {  	[sflag:s10] =	ssyncset.done $0x0;
	s3 =	sor.u32 s3, s16  }
0x1e2: {  	[sflag:s10] =	ssyncadd.s32 $0xFFFFF000;
	s3 =	sadd.s32 s3, s1  }
0x1e3: {  	[hbm4b:s3+s20] =	stream.strided.scatter [tilespmem:s8], [sflag:$0x3], $0x1000, s21, s20, $0x38;
	[tilespmem:$0x1E428] =	vst v63  }
0x1e4: {  	_ =	swait.ge [sflag:s23], $0x1000  }
0x1e5: {  	[sflag:s23] =	ssyncset.done $0x0  }
0x1e6: {  	s31 =	simm.s32 $0x15428;
	[sflag:s23] =	ssyncadd.s32 $0xFFFFF000  }
0x1e7: {  	[tilespmem:s8], [sflag:$0x1] =	stream.indirect.gather [spmem:s2], $0x1, s31, s7, $0xb8;
	[tilespmem:$0x1E428] =	vst v63  }
0x1e8: {  	_ =	swait.ge [sflag:s11], $0x1000  }
0x1e9: {  	s4 =	rddreg [dreg:$0xc]  }
0x1ea: {  	s3 =	sadd.s32 s12, s4  }
0x1eb: {  	s3 =	sand.u32 $0x2FC000, s3  }
0x1ec: {  	[sflag:s11] =	ssyncset.done $0x0;
	s3 =	sor.u32 s3, s16  }
0x1ed: {  	[sflag:s11] =	ssyncadd.s32 $0xFFFFF000;
	s3 =	sadd.s32 s3, s1  }
0x1ee: {  	[hbm4b:s3+s20] =	stream.strided.scatter [tilespmem:s9], [sflag:$0x3], $0x1000, s21, s20, $0x38;
	[tilespmem:$0x1E428] =	vst v63  }
0x1ef: {  	_ =	swait.ge [sflag:s23], $0x1000  }
0x1f0: {  	[sflag:s23] =	ssyncset.done $0x0  }
0x1f1: {  	s5 =	simm.s32 $0x16428;
	[sflag:s23] =	ssyncadd.s32 $0xFFFFF000  }
0x1f2: {  	[tilespmem:s9], [sflag:$0x2] =	stream.indirect.gather [spmem:s2], $0x1, s5, s7, $0xb8;
	[tilespmem:$0x1E428] =	vst v63  }
0x1f3: {  	_ =	swait.ge [sflag:s10], $0x1000  }
0x1f4: {  	s6 =	rddreg [dreg:$0xd]  }
0x1f5: {  	s3 =	sadd.s32 s12, s6  }
0x1f6: {  	s3 =	sand.u32 $0x37C000, s3  }
0x1f7: {  	[sflag:s10] =	ssyncset.done $0x0;
	s3 =	sor.u32 s3, s16  }
0x1f8: {  	[sflag:s10] =	ssyncadd.s32 $0xFFFFF000;
	s3 =	sadd.s32 s3, s1  }
0x1f9: {  	[hbm4b:s3+s20] =	stream.strided.scatter [tilespmem:s8], [sflag:$0x3], $0x1000, s21, s20, $0x38;
	[tilespmem:$0x1E428] =	vst v63  }
0x1fa: {  	_ =	swait.ge [sflag:s23], $0x1000  }
0x1fb: {  	[sflag:s23] =	ssyncset.done $0x0  }
0x1fc: {  	s13 =	simm.s32 $0x17428;
	[sflag:s23] =	ssyncadd.s32 $0xFFFFF000  }
0x1fd: {  	[tilespmem:s8], [sflag:$0x1] =	stream.indirect.gather [spmem:s2], $0x1, s13, s7, $0xb8;
	[tilespmem:$0x1E428] =	vst v63  }
0x1fe: {  	_ =	swait.ge [sflag:s11], $0x1000  }
0x1ff: {  	s18 =	rddreg [dreg:$0xe]  }
0x200: {  	s3 =	sadd.s32 s12, s18  }
0x201: {  	s3 =	sand.u32 $0x3FC000, s3  }
0x202: {  	[sflag:s11] =	ssyncset.done $0x0;
	s3 =	sor.u32 s3, s16  }
0x203: {  	[sflag:s11] =	ssyncadd.s32 $0xFFFFF000;
	s3 =	sadd.s32 s3, s1  }
0x204: {  	[hbm4b:s3+s20] =	stream.strided.scatter [tilespmem:s9], [sflag:$0x3], $0x1000, s21, s20, $0x38;
	[tilespmem:$0x1E428] =	vst v63  }
0x205: {  	_ =	swait.ge [sflag:s23], $0x1000  }
0x206: {  	[sflag:s23] =	ssyncset.done $0x0  }
0x207: {  	s19 =	simm.s32 $0x18428;
	[sflag:s23] =	ssyncadd.s32 $0xFFFFF000  }
0x208: {  	[tilespmem:s9], [sflag:$0x2] =	stream.indirect.gather [spmem:s2], $0x1, s19, s7, $0xb8;
	[tilespmem:$0x1E428] =	vst v63  }
0x209: {  	_ =	swait.ge [sflag:s10], $0x1000  }
0x20a: {  	s22 =	rddreg [dreg:$0xf]  }
0x20b: {  	s3 =	sadd.s32 s12, s22  }
0x20c: {  	s3 =	sand.u32 $0x47C000, s3  }
0x20d: {  	[sflag:s10] =	ssyncset.done $0x0;
	s3 =	sor.u32 s3, s16  }
0x20e: {  	[sflag:s10] =	ssyncadd.s32 $0xFFFFF000;
	s3 =	sadd.s32 s3, s1  }
0x20f: {  	[hbm4b:s3+s20] =	stream.strided.scatter [tilespmem:s8], [sflag:$0x3], $0x1000, s21, s20, $0x38;
	[tilespmem:$0x1E428] =	vst v63  }
0x210: {  	_ =	swait.ge [sflag:s23], $0x1000  }
0x211: {  	[sflag:s23] =	ssyncset.done $0x0  }
0x212: {  	s24 =	simm.s32 $0x19428;
	[sflag:s23] =	ssyncadd.s32 $0xFFFFF000  }
0x213: {  	[tilespmem:s8], [sflag:$0x1] =	stream.indirect.gather [spmem:s2], $0x1, s24, s7, $0xb8;
	[tilespmem:$0x1E428] =	vst v63  }
0x214: {  	_ =	swait.ge [sflag:s11], $0x1000  }
0x215: {  	s25 =	rddreg [dreg:$0x10]  }
0x216: {  	s3 =	sadd.s32 s12, s25  }
0x217: {  	s3 =	sand.u32 $0x4FC000, s3  }
0x218: {  	[sflag:s11] =	ssyncset.done $0x0;
	s3 =	sor.u32 s3, s16  }
0x219: {  	[sflag:s11] =	ssyncadd.s32 $0xFFFFF000;
	s3 =	sadd.s32 s3, s1  }
0x21a: {  	[hbm4b:s3+s20] =	stream.strided.scatter [tilespmem:s9], [sflag:$0x3], $0x1000, s21, s20, $0x38;
	[tilespmem:$0x1E428] =	vst v63  }
0x21b: {  	_ =	swait.ge [sflag:s23], $0x1000  }
0x21c: {  	[sflag:s23] =	ssyncset.done $0x0  }
0x21d: {  	s26 =	simm.s32 $0x1A428;
	[sflag:s23] =	ssyncadd.s32 $0xFFFFF000  }
0x21e: {  	[tilespmem:s9], [sflag:$0x2] =	stream.indirect.gather [spmem:s2], $0x1, s26, s7, $0xb8;
	[tilespmem:$0x1E428] =	vst v63  }
0x21f: {  	_ =	swait.ge [sflag:s10], $0x1000  }
0x220: {  	s28 =	rddreg [dreg:$0x11]  }
0x221: {  	s3 =	sadd.s32 s12, s28  }
0x222: {  	s3 =	sand.u32 $0x57C000, s3  }
0x223: {  	[sflag:s10] =	ssyncset.done $0x0;
	s3 =	sor.u32 s3, s16  }
0x224: {  	[sflag:s10] =	ssyncadd.s32 $0xFFFFF000;
	s3 =	sadd.s32 s3, s1  }
0x225: {  	[hbm4b:s3+s20] =	stream.strided.scatter [tilespmem:s8], [sflag:$0x3], $0x1000, s21, s20, $0x38;
	[tilespmem:$0x1E428] =	vst v63  }
0x226: {  	_ =	swait.ge [sflag:s23], $0x1000  }
0x227: {  	s4 =	simm.s32 @!p1 $0x1C428;
	[sflag:s23] =	ssyncset.done $0x0  }
0x228: {  	s5 =	simm.s32 @!p1 $0x1B428;
	s3 =	simm.s32 @!p1 $0x1000;
	[sflag:s23] =	ssyncadd.s32 $0xFFFFF000  }
0x229: {  	[tilespmem:s4], [sflag:$0x1] =	stream.indirect.gather @!p1 [spmem:s2], $0x1, s5, s3, $0xb8;
	[tilespmem:$0x1E428] =	vst v63  }
0x22a: {  	_ =	swait.ge [sflag:s11], $0x1000  }
0x22b: {  	s29 =	rddreg [dreg:$0x12]  }
0x22c: {  	s3 =	sadd.s32 s12, s29  }
0x22d: {  	s3 =	sand.u32 $0x5FC000, s3  }
0x22e: {  	[sflag:s11] =	ssyncset.done $0x0;
	s3 =	sor.u32 s3, s16  }
0x22f: {  	[sflag:s11] =	ssyncadd.s32 $0xFFFFF000;
	s1 =	sadd.s32 s3, s1  }
0x230: {  	[hbm4b:s1+s20] =	stream.strided.scatter [tilespmem:s9], [sflag:$0x3], $0x1000, s21, s20, $0x38;
	[tilespmem:$0x1E428] =	vst v63  }
0x231: {  	_ =	swait.ge [sflag:s23], $0x1000  }
0x232: {  	[sflag:s23] =	ssyncset.done $0x0  }
0x233: {  	s1 =	simm.s32 @!p1 $0x1;
	[sflag:s23] =	ssyncadd.s32 $0xFFFFF000  }
0x234: {  	_ =	swait.ge @!p1 [sflag:s1], $0x1000  }
0x235: {  	s3 =	rddreg [dreg:$0x13]  }
0x236: {  	s5 =	rddreg [dreg:$0x6];
	[sflag:s1] =	ssyncset.done @!p1 $0x0;
	s3 =	sadd.s32 @!p1 s12, s3  }
0x237: {  	s0 =	sadd.s32 @!p1 s0, s5;
	[sflag:s1] =	ssyncadd.s32 @!p1 $0xFFFFF000;
	s3 =	sand.u32 @!p1 $0x3C000, s3  }
0x238: {  	s1 =	simm.s32 @!p1 $0x80;
	s0 =	sadd.s32 @!p1 s3, s0;
	s3 =	simm.s32 @!p1 $0x400  }
0x239: {  	[hbm4b:s0+s1] =	stream.strided.scatter @!p1 [tilespmem:s4], [sflag:$0x3], $0x1000, s3, s1, $0x38;
	[tilespmem:$0x1E428] =	vst v63  }
0x23a: {  	_ =	swait.ge @!p1 [sflag:s14], $0x1000  }
0x23b: {  	s30 =	sld [smem:$0x7FA]  }
0x23c: {  	s31 =	sld [smem:$0x7FD];
	_ =	sdelay $0x1  }
0x23d: {  	s1 =	sadd.s32 $0x1, s30  }
0x23e: {  	p2 =	sne.s32 s1, s31  }
.Ltmp1:
0x23f: {  	_ = 	snop;
	(pc) =	sbr.rel @p2 .LBB2_1-.Ltmp1, $3  }
0x240: {  	[sflag:s14] =	ssyncset.done @!p1 $0x0  }
0x241: {  	[sflag:s14] =	ssyncadd.s32 @!p1 $0xFFFFF000  }
0x242: {  	[bflag:$0x0] =	sbarrier.arrive $0xFFFF;
	_ =	sdelay $0x1  }
0x243: {  	_ =	sfence.sel $0x180000  }
0x244: {  	[bflag:$0x0] =	sbarrier.arrive $0xFFFF  }
0x245: {  	_ =	strace $0x90000047  }
0x246: {  	[bflag:$0x2] =	sbarrier.arrive $0xFFFF  }
0x247: {  	s0 =	rddreg [dreg:$0x4]  }
0x248: {  	s0 =	sadd.s32 @!p0 $0x100000, s0  }
0x249: {  	[sflag:s0] =	ssyncadd.tile.s32 @!p0 $0x1;
	_ =	shalt  }
.Lfunc_end2:
_tile_overlayer_lowered:
.L_overlay_start_2:
0x24a: {  	(tag) =	ssettag $0x2  }
0x24b: {  	s0 =	rddreg [dreg:$0x0];
	s2 =	stileid.u32  }
0x24c: {  	s1 =	rddreg [dreg:$0x1];
	p0 =	sne.s32 s2, $0x0  }
0x24d: {  	s3 =	rddreg [dreg:$0x2];
	[bflag:$0x3] =	sbarrier.arrive $0xFFFF;
	s2 =	simm.s32 @!p0 $0x1C03  }
0x24e: {  	[timem:s3], [sflag:s2] =	dma.local @!p0 [hbm:s0], s1  }
0x24f: {  	s0 =	simm.s32 @!p0 $0x3  }
0x250: {  	_ =	swait.ge @!p0 [sflag:s0], s1  }
0x251: {  	s1 =	ssub.s32 @!p0 $0x0, s1;
	[sflag:s0] =	ssyncset.done @!p0 $0x0  }
0x252: {  	[sflag:s0] =	ssyncadd.s32 @!p0 s1  }
0x253: {  	[bflag:$0x3] =	sbarrier.arrive $0xFFFF  }
0x254: {  	_ =	shalt  }

</sc_bundles>
